<compile_context>
chip_gen: v7x
topology: tpu7x:2x2x1
jax: 0.10.2.dev20260603
libtpu: 0.0.44.dev20260713+nightly
codegen_flags: <defaults>
</compile_context>

<pallas_src>
import functools

import jax
import jax.numpy as jnp
from jax import lax
from jax.experimental import pallas as pl
from jax.experimental.pallas import tpu as pltpu
from jax.experimental.pallas import tpu_sc as plsc

_BATCH = 16384
_NIN = 8
_NHID = 6
_NOUT = 4
_STEPS = 8
_NC = 2
_NS = 16
_L = 16
_NW = _NC * _NS
_BPW = _BATCH // _NW
_NG = _BPW // _L

_mesh = plsc.VectorSubcoreMesh(core_axis_name="c", subcore_axis_name="s")


def _hash32(h):
    h = h ^ (h >> jnp.uint32(16))
    h = h * jnp.uint32(0x7FEB352D)
    h = h ^ (h >> jnp.uint32(15))
    h = h * jnp.uint32(0x846CA68B)
    h = h ^ (h >> jnp.uint32(16))
    return h | jnp.uint32(1)


_MCG_MUL = 0x93D765DD


@functools.partial(
    pl.kernel,
    mesh=_mesh,
    out_type=jax.ShapeDtypeStruct((_NW, _NOUT, _BPW), jnp.float32),
    scratch_types=[
        pltpu.VMEM((_NIN, _BPW), jnp.float32),
        pltpu.VMEM((_NOUT, _BPW), jnp.float32),
    ],
)
def _snn_kernel(p_hbm, out_hbm, p_v, o_v):
    w = lax.axis_index("s") * _NC + lax.axis_index("c")
    pltpu.sync_copy(p_hbm.at[w], p_v)

    one = jnp.float32(1.0)
    zero = jnp.float32(0.0)
    q = jnp.float32(0.1)
    beta = jnp.float32(0.9)
    f232 = jnp.float32(4294967296.0)
    sh8 = jnp.uint32(8)
    lanes = lax.iota(jnp.int32, 16)

    def group(g, st):
        off = g * _L
        thr = [
            (p_v[i, pl.ds(off, _L)] * f232).astype(jnp.uint32)
            for i in range(_NIN)
        ]
        v_h = [jnp.zeros((_L,), jnp.float32)] * _NHID
        v_o = [jnp.zeros((_L,), jnp.float32)] * 2
        cnt = [jnp.zeros((_L,), jnp.float32)] * 2
        for t in range(_STEPS):
            st = tuple(s * jnp.uint32(_MCG_MUL) for s in st)
            qin = []
            for i in range(_NIN):
                draw = st[i % 4] if i < 4 else st[i - 4] << sh8
                qin.append(jnp.where(draw < thr[i], q, zero))
            spk_h = []
            for j in range(_NHID):
                v = v_h[j] * beta + (qin[j] - qin[j + 1])
                fired = v >= one
                spk_h.append(jnp.where(fired, one, zero))
                v_h[j] = jnp.where(fired, zero, v)
            a = spk_h[0] - spk_h[1] + spk_h[2] - spk_h[3] + spk_h[4] - spk_h[5]
            qa = a * q
            for k, d in ((0, qa), (1, -qa)):
                v = v_o[k] * beta + d
                fired = v >= one
                v_o[k] = jnp.where(fired, zero, v)
                cnt[k] = jnp.where(fired, cnt[k] + one, cnt[k])
        for k in range(_NOUT):
            o_v[k, pl.ds(off, _L)] = cnt[k & 1]
        return st

    seed4 = ((w * _L + lanes) * 4).astype(jnp.uint32)
    st0 = tuple(_hash32(seed4 + jnp.uint32(c)) for c in range(4))
    lax.fori_loop(0, _NG, group, st0, unroll=False)
    pltpu.sync_copy(o_v, out_hbm.at[w])


def kernel(x, num_steps):
    del num_steps
    p_w = x.reshape(_NW, _BPW, _NIN).transpose(0, 2, 1)
    out_w = _snn_kernel(p_w)
    return out_w.transpose(0, 2, 1).reshape(_BATCH, _NOUT)

# --- scband reference (transcript-rebuilt; emitter-appended) ---
"""Pipeline reference for scband-spiking-wann-66494683676773 (READ-ONLY COPY).

The authoritative reference and input builder live on the scoring server;
editing this copy changes nothing except your own understanding.
"""

import jax, jax.numpy as jnp
import numpy as np

BETA = 0.9
TAU = 1.0 / (1.0 - BETA)
THRESHOLD = 1.0
V_RESET = 0.0
ALPHA = 2.0
NUM_OUTPUTS = 4
NUM_INPUTS = 8
BATCH = 16384
WEIGHT_VALUE = 1.0
NUM_STEPS = 8

INPUT_NODES = list(range(0, 8))
HIDDEN_NODES = list(range(8, 14))
OUTPUT_NODES = list(range(14, 18))


def _build_connections():
    conn = {}
    def add(src, dst, sign):
        conn.setdefault(dst, []).append((src, WEIGHT_VALUE * sign))
    for j in range(6):
        add(j, 8 + j, 1.0)
        add(j + 1, 8 + j, -1.0)
    for o in OUTPUT_NODES:
        for h in HIDDEN_NODES:
            add(h, o, 1.0 if (h + o) % 2 == 0 else -1.0)
    return conn

CONN = _build_connections()


def _surrogate_spike(x):
    # spikingjelly surrogate.ATan: heaviside forward, atan surrogate backward
    soft = jnp.arctan(0.5 * jnp.pi * ALPHA * x) / jnp.pi + 0.5
    hard = (x >= 0.0).astype(x.dtype)
    return jax.lax.stop_gradient(hard - soft) + soft


def _lif_step(v, inp):
    # LIFNode(tau=TAU, v_threshold=THRESHOLD, v_reset=V_RESET, decay_input=True)
    v = v + (inp - (v - V_RESET)) / TAU
    spike = _surrogate_spike(v - THRESHOLD)
    sd = jax.lax.stop_gradient(spike)  # detach_reset=True
    v = (1.0 - sd) * v + sd * V_RESET
    return v, spike


def setup_inputs(seed: int = 0):
    key = jax.random.key(seed)
    x = jax.random.uniform(key, (BATCH, NUM_INPUTS), dtype=jnp.float32)
    return {"x": x, "num_steps": 8}


def reference(x, num_steps):
    batch = x.shape[0]
    key = jax.random.key(42)
    enc = []
    for t in range(NUM_STEPS):
        key, sub = jax.random.split(key)
        enc.append(jax.lax.stop_gradient(jax.random.bernoulli(sub, x).astype(jnp.float32)))
    encoded_x = jnp.stack(enc)
    v = {nid: jnp.zeros((batch,), dtype=jnp.float32) for nid in HIDDEN_NODES + OUTPUT_NODES}
    output_spikes = jnp.zeros((batch, NUM_OUTPUTS), dtype=jnp.float32)
    for t in range(NUM_STEPS):
        cur = {}
        for i, nid in enumerate(INPUT_NODES):
            cur[nid] = encoded_x[t, :, i]
        for layer_nodes in (HIDDEN_NODES, OUTPUT_NODES):
            for nid in layer_nodes:
                agg = jnp.zeros((batch,), dtype=jnp.float32)
                for src, w in CONN.get(nid, []):
                    if src in cur:
                        agg = agg + w * cur[src]
                v_new, spike = _lif_step(v[nid], agg)
                v[nid] = v_new
                cur[nid] = spike
                if nid in OUTPUT_NODES:
                    idx = OUTPUT_NODES.index(nid)
                    output_spikes = output_spikes.at[:, idx].add(spike)
    return output_spikes + 0.0 * num_steps


if False:  # reference __main__ guard neutralized (emitter)
    out = reference(**setup_inputs())
    print(out.shape, out.dtype)

if __name__ == "__main__":
    import jax
    _d = setup_inputs()
    print(jax.jit(kernel)(*tuple(_d.values())))

</pallas_src>

<mosaic_0001>
#map = affine_map<(d0, d1) -> (0, 0, 0)>
module attributes {stable_mosaic.version = 14 : i64} {
  func.func @_snn_kernel(%arg0: i32, %arg1: i32, %arg2: memref<32x8x512xf32, #tpu.memory_space<hbm>>, %arg3: memref<32x4x512xf32, #tpu.memory_space<hbm>>, %arg4: memref<8x512xf32, #tpu.memory_space<vmem>>, %arg5: memref<4x512xf32, #tpu.memory_space<vmem>>) attributes {dimension_semantics = [#tpu.dimension_semantics<core_parallel>, #tpu.dimension_semantics<subcore_parallel>], iteration_bounds = array<i64: 2, 16>, scalar_prefetch = 0 : i64, scratch_operands = 2 : i64, tpu.core_type = #tpu.core_type<sc_vector_subcore>, window_params = [{transform_indices = #map}, {transform_indices = #map}]} {
    %mul3A = arith.constant 2 : i32
    %mul3A_0 = arith.muli %arg1, %mul3A : i32
    %add3A = arith.addi %mul3A_0, %arg0 : i32
    "tpu.region"() ({
      %run_scoped3A = tpu.sem_alloc : memref<!tpu.dma_semaphore, #tpu.memory_space<semaphore_mem>>
      %dma_start3A = arith.constant 0 : i32
      %dma_start3A_112 = arith.constant 0 : i32
      %dma_start3A_113 = tpu.memref_slice %arg2[%add3A, %dma_start3A, %dma_start3A_112] : memref<32x8x512xf32, #tpu.memory_space<hbm>> -> memref<1x8x512xf32, #tpu.memory_space<hbm>>
      %dma_start3A_114 = tpu.memref_squeeze %dma_start3A_113 : memref<1x8x512xf32, #tpu.memory_space<hbm>> -> memref<8x512xf32, #tpu.memory_space<hbm>>
      %dma_start3A_115 = arith.constant 0 : i32
      %dma_start3A_116 = arith.constant 0 : i32
      %dma_start3A_117 = tpu.memref_slice %arg2[%add3A, %dma_start3A_115, %dma_start3A_116] : memref<32x8x512xf32, #tpu.memory_space<hbm>> -> memref<1x8x512xf32, #tpu.memory_space<hbm>>
      %dma_start3A_118 = tpu.memref_squeeze %dma_start3A_117 : memref<1x8x512xf32, #tpu.memory_space<hbm>> -> memref<8x512xf32, #tpu.memory_space<hbm>>
      tpu.enqueue_dma source(%dma_start3A_118 : memref<8x512xf32, #tpu.memory_space<hbm>>) target(%arg4 : memref<8x512xf32, #tpu.memory_space<vmem>>) target_semaphore(%run_scoped3A : memref<!tpu.dma_semaphore, #tpu.memory_space<semaphore_mem>>)
      %dma_wait3A = arith.constant 0 : i32
      %dma_wait3A_119 = arith.constant 0 : i32
      %dma_wait3A_120 = tpu.memref_slice %arg2[%add3A, %dma_wait3A, %dma_wait3A_119] : memref<32x8x512xf32, #tpu.memory_space<hbm>> -> memref<1x8x512xf32, #tpu.memory_space<hbm>>
      %dma_wait3A_121 = tpu.memref_squeeze %dma_wait3A_120 : memref<1x8x512xf32, #tpu.memory_space<hbm>> -> memref<8x512xf32, #tpu.memory_space<hbm>>
      %dma_wait3A_122 = arith.constant 0 : i32
      %dma_wait3A_123 = arith.constant 0 : i32
      %dma_wait3A_124 = tpu.memref_slice %arg2[%add3A, %dma_wait3A_122, %dma_wait3A_123] : memref<32x8x512xf32, #tpu.memory_space<hbm>> -> memref<1x8x512xf32, #tpu.memory_space<hbm>>
      %dma_wait3A_125 = tpu.memref_squeeze %dma_wait3A_124 : memref<1x8x512xf32, #tpu.memory_space<hbm>> -> memref<8x512xf32, #tpu.memory_space<hbm>>
      tpu.wait_dma2 semaphore(%run_scoped3A : memref<!tpu.dma_semaphore, #tpu.memory_space<semaphore_mem>>) src(%dma_wait3A_125 : memref<8x512xf32, #tpu.memory_space<hbm>>) dst(%arg4 : memref<8x512xf32, #tpu.memory_space<vmem>>)
      tpu.yield
    }) : () -> ()
    %iota3A = tpu.iota {dimensions = array<i32: 0>} : vector<16xi32>
    %mul3A_1 = arith.constant 16 : i32
    %mul3A_2 = arith.muli %add3A, %mul3A_1 : i32
    %add3A_3 = vector.broadcast %mul3A_2 : i32 to vector<16xi32>
    %add3A_4 = arith.addi %add3A_3, %iota3A : vector<16xi32>
    %mul3A_5 = arith.constant 4 : i32
    %mul3A_6 = vector.broadcast %mul3A_5 : i32 to vector<16xi32>
    %mul3A_7 = arith.muli %add3A_4, %mul3A_6 : vector<16xi32>
    %add3A_8 = arith.constant 0 : i32
    %add3A_9 = vector.broadcast %add3A_8 : i32 to vector<16xi32>
    %add3A_10 = arith.addi %mul3A_7, %add3A_9 : vector<16xi32>
    %shift_right_logical3A = arith.constant 16 : i32
    %shift_right_logical3A_11 = vector.broadcast %shift_right_logical3A : i32 to vector<16xi32>
    %shift_right_logical3A_12 = arith.shrui %add3A_10, %shift_right_logical3A_11 : vector<16xi32>
    %xor3A = arith.xori %add3A_10, %shift_right_logical3A_12 : vector<16xi32>
    %mul3A_13 = arith.constant 2146121005 : i32
    %mul3A_14 = vector.broadcast %mul3A_13 : i32 to vector<16xi32>
    %mul3A_15 = arith.muli %xor3A, %mul3A_14 : vector<16xi32>
    %shift_right_logical3A_16 = arith.constant 15 : i32
    %shift_right_logical3A_17 = vector.broadcast %shift_right_logical3A_16 : i32 to vector<16xi32>
    %shift_right_logical3A_18 = arith.shrui %mul3A_15, %shift_right_logical3A_17 : vector<16xi32>
    %xor3A_19 = arith.xori %mul3A_15, %shift_right_logical3A_18 : vector<16xi32>
    %mul3A_20 = arith.constant -2073254261 : i32
    %mul3A_21 = vector.broadcast %mul3A_20 : i32 to vector<16xi32>
    %mul3A_22 = arith.muli %xor3A_19, %mul3A_21 : vector<16xi32>
    %shift_right_logical3A_23 = arith.constant 16 : i32
    %shift_right_logical3A_24 = vector.broadcast %shift_right_logical3A_23 : i32 to vector<16xi32>
    %shift_right_logical3A_25 = arith.shrui %mul3A_22, %shift_right_logical3A_24 : vector<16xi32>
    %xor3A_26 = arith.xori %mul3A_22, %shift_right_logical3A_25 : vector<16xi32>
    %or3A = arith.constant 1 : i32
    %or3A_27 = vector.broadcast %or3A : i32 to vector<16xi32>
    %or3A_28 = arith.ori %xor3A_26, %or3A_27 : vector<16xi32>
    %add3A_29 = arith.constant 1 : i32
    %add3A_30 = vector.broadcast %add3A_29 : i32 to vector<16xi32>
    %add3A_31 = arith.addi %mul3A_7, %add3A_30 : vector<16xi32>
    %shift_right_logical3A_32 = arith.constant 16 : i32
    %shift_right_logical3A_33 = vector.broadcast %shift_right_logical3A_32 : i32 to vector<16xi32>
    %shift_right_logical3A_34 = arith.shrui %add3A_31, %shift_right_logical3A_33 : vector<16xi32>
    %xor3A_35 = arith.xori %add3A_31, %shift_right_logical3A_34 : vector<16xi32>
    %mul3A_36 = arith.constant 2146121005 : i32
    %mul3A_37 = vector.broadcast %mul3A_36 : i32 to vector<16xi32>
    %mul3A_38 = arith.muli %xor3A_35, %mul3A_37 : vector<16xi32>
    %shift_right_logical3A_39 = arith.constant 15 : i32
    %shift_right_logical3A_40 = vector.broadcast %shift_right_logical3A_39 : i32 to vector<16xi32>
    %shift_right_logical3A_41 = arith.shrui %mul3A_38, %shift_right_logical3A_40 : vector<16xi32>
    %xor3A_42 = arith.xori %mul3A_38, %shift_right_logical3A_41 : vector<16xi32>
    %mul3A_43 = arith.constant -2073254261 : i32
    %mul3A_44 = vector.broadcast %mul3A_43 : i32 to vector<16xi32>
    %mul3A_45 = arith.muli %xor3A_42, %mul3A_44 : vector<16xi32>
    %shift_right_logical3A_46 = arith.constant 16 : i32
    %shift_right_logical3A_47 = vector.broadcast %shift_right_logical3A_46 : i32 to vector<16xi32>
    %shift_right_logical3A_48 = arith.shrui %mul3A_45, %shift_right_logical3A_47 : vector<16xi32>
    %xor3A_49 = arith.xori %mul3A_45, %shift_right_logical3A_48 : vector<16xi32>
    %or3A_50 = arith.constant 1 : i32
    %or3A_51 = vector.broadcast %or3A_50 : i32 to vector<16xi32>
    %or3A_52 = arith.ori %xor3A_49, %or3A_51 : vector<16xi32>
    %add3A_53 = arith.constant 2 : i32
    %add3A_54 = vector.broadcast %add3A_53 : i32 to vector<16xi32>
    %add3A_55 = arith.addi %mul3A_7, %add3A_54 : vector<16xi32>
    %shift_right_logical3A_56 = arith.constant 16 : i32
    %shift_right_logical3A_57 = vector.broadcast %shift_right_logical3A_56 : i32 to vector<16xi32>
    %shift_right_logical3A_58 = arith.shrui %add3A_55, %shift_right_logical3A_57 : vector<16xi32>
    %xor3A_59 = arith.xori %add3A_55, %shift_right_logical3A_58 : vector<16xi32>
    %mul3A_60 = arith.constant 2146121005 : i32
    %mul3A_61 = vector.broadcast %mul3A_60 : i32 to vector<16xi32>
    %mul3A_62 = arith.muli %xor3A_59, %mul3A_61 : vector<16xi32>
    %shift_right_logical3A_63 = arith.constant 15 : i32
    %shift_right_logical3A_64 = vector.broadcast %shift_right_logical3A_63 : i32 to vector<16xi32>
    %shift_right_logical3A_65 = arith.shrui %mul3A_62, %shift_right_logical3A_64 : vector<16xi32>
    %xor3A_66 = arith.xori %mul3A_62, %shift_right_logical3A_65 : vector<16xi32>
    %mul3A_67 = arith.constant -2073254261 : i32
    %mul3A_68 = vector.broadcast %mul3A_67 : i32 to vector<16xi32>
    %mul3A_69 = arith.muli %xor3A_66, %mul3A_68 : vector<16xi32>
    %shift_right_logical3A_70 = arith.constant 16 : i32
    %shift_right_logical3A_71 = vector.broadcast %shift_right_logical3A_70 : i32 to vector<16xi32>
    %shift_right_logical3A_72 = arith.shrui %mul3A_69, %shift_right_logical3A_71 : vector<16xi32>
    %xor3A_73 = arith.xori %mul3A_69, %shift_right_logical3A_72 : vector<16xi32>
    %or3A_74 = arith.constant 1 : i32
    %or3A_75 = vector.broadcast %or3A_74 : i32 to vector<16xi32>
    %or3A_76 = arith.ori %xor3A_73, %or3A_75 : vector<16xi32>
    %add3A_77 = arith.constant 3 : i32
    %add3A_78 = vector.broadcast %add3A_77 : i32 to vector<16xi32>
    %add3A_79 = arith.addi %mul3A_7, %add3A_78 : vector<16xi32>
    %shift_right_logical3A_80 = arith.constant 16 : i32
    %shift_right_logical3A_81 = vector.broadcast %shift_right_logical3A_80 : i32 to vector<16xi32>
    %shift_right_logical3A_82 = arith.shrui %add3A_79, %shift_right_logical3A_81 : vector<16xi32>
    %xor3A_83 = arith.xori %add3A_79, %shift_right_logical3A_82 : vector<16xi32>
    %mul3A_84 = arith.constant 2146121005 : i32
    %mul3A_85 = vector.broadcast %mul3A_84 : i32 to vector<16xi32>
    %mul3A_86 = arith.muli %xor3A_83, %mul3A_85 : vector<16xi32>
    %shift_right_logical3A_87 = arith.constant 15 : i32
    %shift_right_logical3A_88 = vector.broadcast %shift_right_logical3A_87 : i32 to vector<16xi32>
    %shift_right_logical3A_89 = arith.shrui %mul3A_86, %shift_right_logical3A_88 : vector<16xi32>
    %xor3A_90 = arith.xori %mul3A_86, %shift_right_logical3A_89 : vector<16xi32>
    %mul3A_91 = arith.constant -2073254261 : i32
    %mul3A_92 = vector.broadcast %mul3A_91 : i32 to vector<16xi32>
    %mul3A_93 = arith.muli %xor3A_90, %mul3A_92 : vector<16xi32>
    %shift_right_logical3A_94 = arith.constant 16 : i32
    %shift_right_logical3A_95 = vector.broadcast %shift_right_logical3A_94 : i32 to vector<16xi32>
    %shift_right_logical3A_96 = arith.shrui %mul3A_93, %shift_right_logical3A_95 : vector<16xi32>
    %xor3A_97 = arith.xori %mul3A_93, %shift_right_logical3A_96 : vector<16xi32>
    %or3A_98 = arith.constant 1 : i32
    %or3A_99 = vector.broadcast %or3A_98 : i32 to vector<16xi32>
    %or3A_100 = arith.ori %xor3A_97, %or3A_99 : vector<16xi32>
    %scan3A = arith.constant 4.2949673E+9 : f32
    %scan3A_101 = arith.constant 1.000000e-01 : f32
    %scan3A_102 = arith.constant 0.000000e+00 : f32
    %scan3A_103 = arith.constant 8 : i32
    %scan3A_104 = arith.constant 0.899999976 : f32
    %scan3A_105 = arith.constant 1.000000e+00 : f32
    %scan3A_106 = arith.constant 0 : i32
    %scan3A_107 = arith.constant 32 : i32
    %scan3A_108 = arith.addi %scan3A_106, %scan3A_107 : i32
    %scan3A_109 = arith.constant 1 : i32
    %scan3A_110:4 = scf.for %scan3A_112 = %scan3A_106 to %scan3A_108 step %scan3A_109 iter_args(%scan3A_113 = %or3A_28, %scan3A_114 = %or3A_52, %scan3A_115 = %or3A_76, %scan3A_116 = %or3A_100) -> (vector<16xi32>, vector<16xi32>, vector<16xi32>, vector<16xi32>)  : i32 {
      %mul3A_117 = arith.constant 16 : i32
      %mul3A_118 = arith.muli %scan3A_112, %mul3A_117 : i32
      %get3A = arith.constant 0 : i32
      %get3A_119 = arith.index_cast %get3A : i32 to index
      %get3A_120 = arith.index_cast %mul3A_118 : i32 to index
      %get3A_121 = tpu.vector_load %arg4[%get3A_119, %get3A_120] {strides = array<i32>} : memref<8x512xf32, #tpu.memory_space<vmem>>, vector<1x16xf32>,
      %get3A_122 = vector.shape_cast %get3A_121 : vector<1x16xf32> to vector<16xf32>
      %mul3A_123 = vector.broadcast %scan3A : f32 to vector<16xf32>
      %mul3A_124 = arith.mulf %get3A_122, %mul3A_123 : vector<16xf32>
      %convert_element_type3A = arith.fptoui %mul3A_124 : vector<16xf32> to vector<16xi32>
      %get3A_125 = arith.constant 1 : i32
      %get3A_126 = arith.index_cast %get3A_125 : i32 to index
      %get3A_127 = arith.index_cast %mul3A_118 : i32 to index
      %get3A_128 = tpu.vector_load %arg4[%get3A_126, %get3A_127] {strides = array<i32>} : memref<8x512xf32, #tpu.memory_space<vmem>>, vector<1x16xf32>,
      %get3A_129 = vector.shape_cast %get3A_128 : vector<1x16xf32> to vector<16xf32>
      %mul3A_130 = vector.broadcast %scan3A : f32 to vector<16xf32>
      %mul3A_131 = arith.mulf %get3A_129, %mul3A_130 : vector<16xf32>
      %convert_element_type3A_132 = arith.fptoui %mul3A_131 : vector<16xf32> to vector<16xi32>
      %get3A_133 = arith.constant 2 : i32
      %get3A_134 = arith.index_cast %get3A_133 : i32 to index
      %get3A_135 = arith.index_cast %mul3A_118 : i32 to index
      %get3A_136 = tpu.vector_load %arg4[%get3A_134, %get3A_135] {strides = array<i32>} : memref<8x512xf32, #tpu.memory_space<vmem>>, vector<1x16xf32>,
      %get3A_137 = vector.shape_cast %get3A_136 : vector<1x16xf32> to vector<16xf32>
      %mul3A_138 = vector.broadcast %scan3A : f32 to vector<16xf32>
      %mul3A_139 = arith.mulf %get3A_137, %mul3A_138 : vector<16xf32>
      %convert_element_type3A_140 = arith.fptoui %mul3A_139 : vector<16xf32> to vector<16xi32>
      %get3A_141 = arith.constant 3 : i32
      %get3A_142 = arith.index_cast %get3A_141 : i32 to index
      %get3A_143 = arith.index_cast %mul3A_118 : i32 to index
      %get3A_144 = tpu.vector_load %arg4[%get3A_142, %get3A_143] {strides = array<i32>} : memref<8x512xf32, #tpu.memory_space<vmem>>, vector<1x16xf32>,
      %get3A_145 = vector.shape_cast %get3A_144 : vector<1x16xf32> to vector<16xf32>
      %mul3A_146 = vector.broadcast %scan3A : f32 to vector<16xf32>
      %mul3A_147 = arith.mulf %get3A_145, %mul3A_146 : vector<16xf32>
      %convert_element_type3A_148 = arith.fptoui %mul3A_147 : vector<16xf32> to vector<16xi32>
      %get3A_149 = arith.constant 4 : i32
      %get3A_150 = arith.index_cast %get3A_149 : i32 to index
      %get3A_151 = arith.index_cast %mul3A_118 : i32 to index
      %get3A_152 = tpu.vector_load %arg4[%get3A_150, %get3A_151] {strides = array<i32>} : memref<8x512xf32, #tpu.memory_space<vmem>>, vector<1x16xf32>,
      %get3A_153 = vector.shape_cast %get3A_152 : vector<1x16xf32> to vector<16xf32>
      %mul3A_154 = vector.broadcast %scan3A : f32 to vector<16xf32>
      %mul3A_155 = arith.mulf %get3A_153, %mul3A_154 : vector<16xf32>
      %convert_element_type3A_156 = arith.fptoui %mul3A_155 : vector<16xf32> to vector<16xi32>
      %get3A_157 = arith.constant 5 : i32
      %get3A_158 = arith.index_cast %get3A_157 : i32 to index
      %get3A_159 = arith.index_cast %mul3A_118 : i32 to index
      %get3A_160 = tpu.vector_load %arg4[%get3A_158, %get3A_159] {strides = array<i32>} : memref<8x512xf32, #tpu.memory_space<vmem>>, vector<1x16xf32>,
      %get3A_161 = vector.shape_cast %get3A_160 : vector<1x16xf32> to vector<16xf32>
      %mul3A_162 = vector.broadcast %scan3A : f32 to vector<16xf32>
      %mul3A_163 = arith.mulf %get3A_161, %mul3A_162 : vector<16xf32>
      %convert_element_type3A_164 = arith.fptoui %mul3A_163 : vector<16xf32> to vector<16xi32>
      %get3A_165 = arith.constant 6 : i32
      %get3A_166 = arith.index_cast %get3A_165 : i32 to index
      %get3A_167 = arith.index_cast %mul3A_118 : i32 to index
      %get3A_168 = tpu.vector_load %arg4[%get3A_166, %get3A_167] {strides = array<i32>} : memref<8x512xf32, #tpu.memory_space<vmem>>, vector<1x16xf32>,
      %get3A_169 = vector.shape_cast %get3A_168 : vector<1x16xf32> to vector<16xf32>
      %mul3A_170 = vector.broadcast %scan3A : f32 to vector<16xf32>
      %mul3A_171 = arith.mulf %get3A_169, %mul3A_170 : vector<16xf32>
      %convert_element_type3A_172 = arith.fptoui %mul3A_171 : vector<16xf32> to vector<16xi32>
      %get3A_173 = arith.constant 7 : i32
      %get3A_174 = arith.index_cast %get3A_173 : i32 to index
      %get3A_175 = arith.index_cast %mul3A_118 : i32 to index
      %get3A_176 = tpu.vector_load %arg4[%get3A_174, %get3A_175] {strides = array<i32>} : memref<8x512xf32, #tpu.memory_space<vmem>>, vector<1x16xf32>,
      %get3A_177 = vector.shape_cast %get3A_176 : vector<1x16xf32> to vector<16xf32>
      %mul3A_178 = vector.broadcast %scan3A : f32 to vector<16xf32>
      %mul3A_179 = arith.mulf %get3A_177, %mul3A_178 : vector<16xf32>
      %convert_element_type3A_180 = arith.fptoui %mul3A_179 : vector<16xf32> to vector<16xi32>
      %broadcast_in_dim3A = arith.constant 0.000000e+00 : f32
      %broadcast_in_dim3A_181 = vector.broadcast %broadcast_in_dim3A : f32 to vector<16xf32>
      %broadcast_in_dim3A_182 = arith.constant 0.000000e+00 : f32
      %broadcast_in_dim3A_183 = vector.broadcast %broadcast_in_dim3A_182 : f32 to vector<16xf32>
      %broadcast_in_dim3A_184 = arith.constant 0.000000e+00 : f32
      %broadcast_in_dim3A_185 = vector.broadcast %broadcast_in_dim3A_184 : f32 to vector<16xf32>
      %mul3A_186 = arith.constant -1814600227 : i32
      %mul3A_187 = vector.broadcast %mul3A_186 : i32 to vector<16xi32>
      %mul3A_188 = arith.muli %scan3A_113, %mul3A_187 : vector<16xi32>
      %mul3A_189 = arith.constant -1814600227 : i32
      %mul3A_190 = vector.broadcast %mul3A_189 : i32 to vector<16xi32>
      %mul3A_191 = arith.muli %scan3A_114, %mul3A_190 : vector<16xi32>
      %mul3A_192 = arith.constant -1814600227 : i32
      %mul3A_193 = vector.broadcast %mul3A_192 : i32 to vector<16xi32>
      %mul3A_194 = arith.muli %scan3A_115, %mul3A_193 : vector<16xi32>
      %mul3A_195 = arith.constant -1814600227 : i32
      %mul3A_196 = vector.broadcast %mul3A_195 : i32 to vector<16xi32>
      %mul3A_197 = arith.muli %scan3A_116, %mul3A_196 : vector<16xi32>
      %lt3A = arith.cmpi ult, %mul3A_188, %convert_element_type3A : vector<16xi32>
      %broadcast_in_dim3A_198 = vector.broadcast %scan3A_101 : f32 to vector<16xf32>
      %broadcast_in_dim3A_199 = vector.broadcast %scan3A_102 : f32 to vector<16xf32>
      %select_n3A = arith.select %lt3A, %broadcast_in_dim3A_198, %broadcast_in_dim3A_199 : vector<16xi1>, vector<16xf32>
      %lt3A_200 = arith.cmpi ult, %mul3A_191, %convert_element_type3A_132 : vector<16xi32>
      %broadcast_in_dim3A_201 = vector.broadcast %scan3A_101 : f32 to vector<16xf32>
      %broadcast_in_dim3A_202 = vector.broadcast %scan3A_102 : f32 to vector<16xf32>
      %select_n3A_203 = arith.select %lt3A_200, %broadcast_in_dim3A_201, %broadcast_in_dim3A_202 : vector<16xi1>, vector<16xf32>
      %lt3A_204 = arith.cmpi ult, %mul3A_194, %convert_element_type3A_140 : vector<16xi32>
      %broadcast_in_dim3A_205 = vector.broadcast %scan3A_101 : f32 to vector<16xf32>
      %broadcast_in_dim3A_206 = vector.broadcast %scan3A_102 : f32 to vector<16xf32>
      %select_n3A_207 = arith.select %lt3A_204, %broadcast_in_dim3A_205, %broadcast_in_dim3A_206 : vector<16xi1>, vector<16xf32>
      %lt3A_208 = arith.cmpi ult, %mul3A_197, %convert_element_type3A_148 : vector<16xi32>
      %broadcast_in_dim3A_209 = vector.broadcast %scan3A_101 : f32 to vector<16xf32>
      %broadcast_in_dim3A_210 = vector.broadcast %scan3A_102 : f32 to vector<16xf32>
      %select_n3A_211 = arith.select %lt3A_208, %broadcast_in_dim3A_209, %broadcast_in_dim3A_210 : vector<16xi1>, vector<16xf32>
      %shift_left3A = vector.broadcast %scan3A_103 : i32 to vector<16xi32>
      %shift_left3A_212 = arith.shli %mul3A_188, %shift_left3A : vector<16xi32>
      %lt3A_213 = arith.cmpi ult, %shift_left3A_212, %convert_element_type3A_156 : vector<16xi32>
      %broadcast_in_dim3A_214 = vector.broadcast %scan3A_101 : f32 to vector<16xf32>
      %broadcast_in_dim3A_215 = vector.broadcast %scan3A_102 : f32 to vector<16xf32>
      %select_n3A_216 = arith.select %lt3A_213, %broadcast_in_dim3A_214, %broadcast_in_dim3A_215 : vector<16xi1>, vector<16xf32>
      %shift_left3A_217 = vector.broadcast %scan3A_103 : i32 to vector<16xi32>
      %shift_left3A_218 = arith.shli %mul3A_191, %shift_left3A_217 : vector<16xi32>
      %lt3A_219 = arith.cmpi ult, %shift_left3A_218, %convert_element_type3A_164 : vector<16xi32>
      %broadcast_in_dim3A_220 = vector.broadcast %scan3A_101 : f32 to vector<16xf32>
      %broadcast_in_dim3A_221 = vector.broadcast %scan3A_102 : f32 to vector<16xf32>
      %select_n3A_222 = arith.select %lt3A_219, %broadcast_in_dim3A_220, %broadcast_in_dim3A_221 : vector<16xi1>, vector<16xf32>
      %shift_left3A_223 = vector.broadcast %scan3A_103 : i32 to vector<16xi32>
      %shift_left3A_224 = arith.shli %mul3A_194, %shift_left3A_223 : vector<16xi32>
      %lt3A_225 = arith.cmpi ult, %shift_left3A_224, %convert_element_type3A_172 : vector<16xi32>
      %broadcast_in_dim3A_226 = vector.broadcast %scan3A_101 : f32 to vector<16xf32>
      %broadcast_in_dim3A_227 = vector.broadcast %scan3A_102 : f32 to vector<16xf32>
      %select_n3A_228 = arith.select %lt3A_225, %broadcast_in_dim3A_226, %broadcast_in_dim3A_227 : vector<16xi1>, vector<16xf32>
      %shift_left3A_229 = vector.broadcast %scan3A_103 : i32 to vector<16xi32>
      %shift_left3A_230 = arith.shli %mul3A_197, %shift_left3A_229 : vector<16xi32>
      %lt3A_231 = arith.cmpi ult, %shift_left3A_230, %convert_element_type3A_180 : vector<16xi32>
      %broadcast_in_dim3A_232 = vector.broadcast %scan3A_101 : f32 to vector<16xf32>
      %broadcast_in_dim3A_233 = vector.broadcast %scan3A_102 : f32 to vector<16xf32>
      %select_n3A_234 = arith.select %lt3A_231, %broadcast_in_dim3A_232, %broadcast_in_dim3A_233 : vector<16xi1>, vector<16xf32>
      %mul3A_235 = vector.broadcast %scan3A_104 : f32 to vector<16xf32>
      %mul3A_236 = arith.mulf %broadcast_in_dim3A_181, %mul3A_235 : vector<16xf32>
      %sub3A = arith.subf %select_n3A, %select_n3A_203 : vector<16xf32>
      %add3A_237 = arith.addf %mul3A_236, %sub3A : vector<16xf32>
      %ge3A = vector.broadcast %scan3A_105 : f32 to vector<16xf32>
      %ge3A_238 = arith.cmpf oge, %add3A_237, %ge3A : vector<16xf32>
      %broadcast_in_dim3A_239 = vector.broadcast %scan3A_105 : f32 to vector<16xf32>
      %broadcast_in_dim3A_240 = vector.broadcast %scan3A_102 : f32 to vector<16xf32>
      %select_n3A_241 = arith.select %ge3A_238, %broadcast_in_dim3A_239, %broadcast_in_dim3A_240 : vector<16xi1>, vector<16xf32>
      %broadcast_in_dim3A_242 = vector.broadcast %scan3A_102 : f32 to vector<16xf32>
      %select_n3A_243 = arith.select %ge3A_238, %broadcast_in_dim3A_242, %add3A_237 : vector<16xi1>, vector<16xf32>
      %mul3A_244 = vector.broadcast %scan3A_104 : f32 to vector<16xf32>
      %mul3A_245 = arith.mulf %broadcast_in_dim3A_181, %mul3A_244 : vector<16xf32>
      %sub3A_246 = arith.subf %select_n3A_203, %select_n3A_207 : vector<16xf32>
      %add3A_247 = arith.addf %mul3A_245, %sub3A_246 : vector<16xf32>
      %ge3A_248 = vector.broadcast %scan3A_105 : f32 to vector<16xf32>
      %ge3A_249 = arith.cmpf oge, %add3A_247, %ge3A_248 : vector<16xf32>
      %broadcast_in_dim3A_250 = vector.broadcast %scan3A_105 : f32 to vector<16xf32>
      %broadcast_in_dim3A_251 = vector.broadcast %scan3A_102 : f32 to vector<16xf32>
      %select_n3A_252 = arith.select %ge3A_249, %broadcast_in_dim3A_250, %broadcast_in_dim3A_251 : vector<16xi1>, vector<16xf32>
      %broadcast_in_dim3A_253 = vector.broadcast %scan3A_102 : f32 to vector<16xf32>
      %select_n3A_254 = arith.select %ge3A_249, %broadcast_in_dim3A_253, %add3A_247 : vector<16xi1>, vector<16xf32>
      %mul3A_255 = vector.broadcast %scan3A_104 : f32 to vector<16xf32>
      %mul3A_256 = arith.mulf %broadcast_in_dim3A_181, %mul3A_255 : vector<16xf32>
      %sub3A_257 = arith.subf %select_n3A_207, %select_n3A_211 : vector<16xf32>
      %add3A_258 = arith.addf %mul3A_256, %sub3A_257 : vector<16xf32>
      %ge3A_259 = vector.broadcast %scan3A_105 : f32 to vector<16xf32>
      %ge3A_260 = arith.cmpf oge, %add3A_258, %ge3A_259 : vector<16xf32>
      %broadcast_in_dim3A_261 = vector.broadcast %scan3A_105 : f32 to vector<16xf32>
      %broadcast_in_dim3A_262 = vector.broadcast %scan3A_102 : f32 to vector<16xf32>
      %select_n3A_263 = arith.select %ge3A_260, %broadcast_in_dim3A_261, %broadcast_in_dim3A_262 : vector<16xi1>, vector<16xf32>
      %broadcast_in_dim3A_264 = vector.broadcast %scan3A_102 : f32 to vector<16xf32>
      %select_n3A_265 = arith.select %ge3A_260, %broadcast_in_dim3A_264, %add3A_258 : vector<16xi1>, vector<16xf32>
      %mul3A_266 = vector.broadcast %scan3A_104 : f32 to vector<16xf32>
      %mul3A_267 = arith.mulf %broadcast_in_dim3A_181, %mul3A_266 : vector<16xf32>
      %sub3A_268 = arith.subf %select_n3A_211, %select_n3A_216 : vector<16xf32>
      %add3A_269 = arith.addf %mul3A_267, %sub3A_268 : vector<16xf32>
      %ge3A_270 = vector.broadcast %scan3A_105 : f32 to vector<16xf32>
      %ge3A_271 = arith.cmpf oge, %add3A_269, %ge3A_270 : vector<16xf32>
      %broadcast_in_dim3A_272 = vector.broadcast %scan3A_105 : f32 to vector<16xf32>
      %broadcast_in_dim3A_273 = vector.broadcast %scan3A_102 : f32 to vector<16xf32>
      %select_n3A_274 = arith.select %ge3A_271, %broadcast_in_dim3A_272, %broadcast_in_dim3A_273 : vector<16xi1>, vector<16xf32>
      %broadcast_in_dim3A_275 = vector.broadcast %scan3A_102 : f32 to vector<16xf32>
      %select_n3A_276 = arith.select %ge3A_271, %broadcast_in_dim3A_275, %add3A_269 : vector<16xi1>, vector<16xf32>
      %mul3A_277 = vector.broadcast %scan3A_104 : f32 to vector<16xf32>
      %mul3A_278 = arith.mulf %broadcast_in_dim3A_181, %mul3A_277 : vector<16xf32>
      %sub3A_279 = arith.subf %select_n3A_216, %select_n3A_222 : vector<16xf32>
      %add3A_280 = arith.addf %mul3A_278, %sub3A_279 : vector<16xf32>
      %ge3A_281 = vector.broadcast %scan3A_105 : f32 to vector<16xf32>
      %ge3A_282 = arith.cmpf oge, %add3A_280, %ge3A_281 : vector<16xf32>
      %broadcast_in_dim3A_283 = vector.broadcast %scan3A_105 : f32 to vector<16xf32>
      %broadcast_in_dim3A_284 = vector.broadcast %scan3A_102 : f32 to vector<16xf32>
      %select_n3A_285 = arith.select %ge3A_282, %broadcast_in_dim3A_283, %broadcast_in_dim3A_284 : vector<16xi1>, vector<16xf32>
      %broadcast_in_dim3A_286 = vector.broadcast %scan3A_102 : f32 to vector<16xf32>
      %select_n3A_287 = arith.select %ge3A_282, %broadcast_in_dim3A_286, %add3A_280 : vector<16xi1>, vector<16xf32>
      %mul3A_288 = vector.broadcast %scan3A_104 : f32 to vector<16xf32>
      %mul3A_289 = arith.mulf %broadcast_in_dim3A_181, %mul3A_288 : vector<16xf32>
      %sub3A_290 = arith.subf %select_n3A_222, %select_n3A_228 : vector<16xf32>
      %add3A_291 = arith.addf %mul3A_289, %sub3A_290 : vector<16xf32>
      %ge3A_292 = vector.broadcast %scan3A_105 : f32 to vector<16xf32>
      %ge3A_293 = arith.cmpf oge, %add3A_291, %ge3A_292 : vector<16xf32>
      %broadcast_in_dim3A_294 = vector.broadcast %scan3A_105 : f32 to vector<16xf32>
      %broadcast_in_dim3A_295 = vector.broadcast %scan3A_102 : f32 to vector<16xf32>
      %select_n3A_296 = arith.select %ge3A_293, %broadcast_in_dim3A_294, %broadcast_in_dim3A_295 : vector<16xi1>, vector<16xf32>
      %broadcast_in_dim3A_297 = vector.broadcast %scan3A_102 : f32 to vector<16xf32>
      %select_n3A_298 = arith.select %ge3A_293, %broadcast_in_dim3A_297, %add3A_291 : vector<16xi1>, vector<16xf32>
      %sub3A_299 = arith.subf %select_n3A_241, %select_n3A_252 : vector<16xf32>
      %add3A_300 = arith.addf %sub3A_299, %select_n3A_263 : vector<16xf32>
      %sub3A_301 = arith.subf %add3A_300, %select_n3A_274 : vector<16xf32>
      %add3A_302 = arith.addf %sub3A_301, %select_n3A_285 : vector<16xf32>
      %sub3A_303 = arith.subf %add3A_302, %select_n3A_296 : vector<16xf32>
      %mul3A_304 = vector.broadcast %scan3A_101 : f32 to vector<16xf32>
      %mul3A_305 = arith.mulf %sub3A_303, %mul3A_304 : vector<16xf32>
      %neg3A = arith.constant 0.000000e+00 : f32
      %neg3A_306 = vector.broadcast %neg3A : f32 to vector<16xf32>
      %neg3A_307 = arith.subf %neg3A_306, %mul3A_305 : vector<16xf32>
      %mul3A_308 = vector.broadcast %scan3A_104 : f32 to vector<16xf32>
      %mul3A_309 = arith.mulf %broadcast_in_dim3A_183, %mul3A_308 : vector<16xf32>
      %add3A_310 = arith.addf %mul3A_309, %mul3A_305 : vector<16xf32>
      %ge3A_311 = vector.broadcast %scan3A_105 : f32 to vector<16xf32>
      %ge3A_312 = arith.cmpf oge, %add3A_310, %ge3A_311 : vector<16xf32>
      %broadcast_in_dim3A_313 = vector.broadcast %scan3A_102 : f32 to vector<16xf32>
      %select_n3A_314 = arith.select %ge3A_312, %broadcast_in_dim3A_313, %add3A_310 : vector<16xi1>, vector<16xf32>
      %add3A_315 = vector.broadcast %scan3A_105 : f32 to vector<16xf32>
      %add3A_316 = arith.addf %broadcast_in_dim3A_185, %add3A_315 : vector<16xf32>
      %select_n3A_317 = arith.select %ge3A_312, %add3A_316, %broadcast_in_dim3A_185 : vector<16xi1>, vector<16xf32>
      %mul3A_318 = vector.broadcast %scan3A_104 : f32 to vector<16xf32>
      %mul3A_319 = arith.mulf %broadcast_in_dim3A_183, %mul3A_318 : vector<16xf32>
      %add3A_320 = arith.addf %mul3A_319, %neg3A_307 : vector<16xf32>
      %ge3A_321 = vector.broadcast %scan3A_105 : f32 to vector<16xf32>
      %ge3A_322 = arith.cmpf oge, %add3A_320, %ge3A_321 : vector<16xf32>
      %broadcast_in_dim3A_323 = vector.broadcast %scan3A_102 : f32 to vector<16xf32>
      %select_n3A_324 = arith.select %ge3A_322, %broadcast_in_dim3A_323, %add3A_320 : vector<16xi1>, vector<16xf32>
      %add3A_325 = vector.broadcast %scan3A_105 : f32 to vector<16xf32>
      %add3A_326 = arith.addf %broadcast_in_dim3A_185, %add3A_325 : vector<16xf32>
      %select_n3A_327 = arith.select %ge3A_322, %add3A_326, %broadcast_in_dim3A_185 : vector<16xi1>, vector<16xf32>
      %mul3A_328 = arith.constant -1814600227 : i32
      %mul3A_329 = vector.broadcast %mul3A_328 : i32 to vector<16xi32>
      %mul3A_330 = arith.muli %mul3A_188, %mul3A_329 : vector<16xi32>
      %mul3A_331 = arith.constant -1814600227 : i32
      %mul3A_332 = vector.broadcast %mul3A_331 : i32 to vector<16xi32>
      %mul3A_333 = arith.muli %mul3A_191, %mul3A_332 : vector<16xi32>
      %mul3A_334 = arith.constant -1814600227 : i32
      %mul3A_335 = vector.broadcast %mul3A_334 : i32 to vector<16xi32>
      %mul3A_336 = arith.muli %mul3A_194, %mul3A_335 : vector<16xi32>
      %mul3A_337 = arith.constant -1814600227 : i32
      %mul3A_338 = vector.broadcast %mul3A_337 : i32 to vector<16xi32>
      %mul3A_339 = arith.muli %mul3A_197, %mul3A_338 : vector<16xi32>
      %lt3A_340 = arith.cmpi ult, %mul3A_330, %convert_element_type3A : vector<16xi32>
      %broadcast_in_dim3A_341 = vector.broadcast %scan3A_101 : f32 to vector<16xf32>
      %broadcast_in_dim3A_342 = vector.broadcast %scan3A_102 : f32 to vector<16xf32>
      %select_n3A_343 = arith.select %lt3A_340, %broadcast_in_dim3A_341, %broadcast_in_dim3A_342 : vector<16xi1>, vector<16xf32>
      %lt3A_344 = arith.cmpi ult, %mul3A_333, %convert_element_type3A_132 : vector<16xi32>
      %broadcast_in_dim3A_345 = vector.broadcast %scan3A_101 : f32 to vector<16xf32>
      %broadcast_in_dim3A_346 = vector.broadcast %scan3A_102 : f32 to vector<16xf32>
      %select_n3A_347 = arith.select %lt3A_344, %broadcast_in_dim3A_345, %broadcast_in_dim3A_346 : vector<16xi1>, vector<16xf32>
      %lt3A_348 = arith.cmpi ult, %mul3A_336, %convert_element_type3A_140 : vector<16xi32>
      %broadcast_in_dim3A_349 = vector.broadcast %scan3A_101 : f32 to vector<16xf32>
      %broadcast_in_dim3A_350 = vector.broadcast %scan3A_102 : f32 to vector<16xf32>
      %select_n3A_351 = arith.select %lt3A_348, %broadcast_in_dim3A_349, %broadcast_in_dim3A_350 : vector<16xi1>, vector<16xf32>
      %lt3A_352 = arith.cmpi ult, %mul3A_339, %convert_element_type3A_148 : vector<16xi32>
      %broadcast_in_dim3A_353 = vector.broadcast %scan3A_101 : f32 to vector<16xf32>
      %broadcast_in_dim3A_354 = vector.broadcast %scan3A_102 : f32 to vector<16xf32>
      %select_n3A_355 = arith.select %lt3A_352, %broadcast_in_dim3A_353, %broadcast_in_dim3A_354 : vector<16xi1>, vector<16xf32>
      %shift_left3A_356 = vector.broadcast %scan3A_103 : i32 to vector<16xi32>
      %shift_left3A_357 = arith.shli %mul3A_330, %shift_left3A_356 : vector<16xi32>
      %lt3A_358 = arith.cmpi ult, %shift_left3A_357, %convert_element_type3A_156 : vector<16xi32>
      %broadcast_in_dim3A_359 = vector.broadcast %scan3A_101 : f32 to vector<16xf32>
      %broadcast_in_dim3A_360 = vector.broadcast %scan3A_102 : f32 to vector<16xf32>
      %select_n3A_361 = arith.select %lt3A_358, %broadcast_in_dim3A_359, %broadcast_in_dim3A_360 : vector<16xi1>, vector<16xf32>
      %shift_left3A_362 = vector.broadcast %scan3A_103 : i32 to vector<16xi32>
      %shift_left3A_363 = arith.shli %mul3A_333, %shift_left3A_362 : vector<16xi32>
      %lt3A_364 = arith.cmpi ult, %shift_left3A_363, %convert_element_type3A_164 : vector<16xi32>
      %broadcast_in_dim3A_365 = vector.broadcast %scan3A_101 : f32 to vector<16xf32>
      %broadcast_in_dim3A_366 = vector.broadcast %scan3A_102 : f32 to vector<16xf32>
      %select_n3A_367 = arith.select %lt3A_364, %broadcast_in_dim3A_365, %broadcast_in_dim3A_366 : vector<16xi1>, vector<16xf32>
      %shift_left3A_368 = vector.broadcast %scan3A_103 : i32 to vector<16xi32>
      %shift_left3A_369 = arith.shli %mul3A_336, %shift_left3A_368 : vector<16xi32>
      %lt3A_370 = arith.cmpi ult, %shift_left3A_369, %convert_element_type3A_172 : vector<16xi32>
      %broadcast_in_dim3A_371 = vector.broadcast %scan3A_101 : f32 to vector<16xf32>
      %broadcast_in_dim3A_372 = vector.broadcast %scan3A_102 : f32 to vector<16xf32>
      %select_n3A_373 = arith.select %lt3A_370, %broadcast_in_dim3A_371, %broadcast_in_dim3A_372 : vector<16xi1>, vector<16xf32>
      %shift_left3A_374 = vector.broadcast %scan3A_103 : i32 to vector<16xi32>
      %shift_left3A_375 = arith.shli %mul3A_339, %shift_left3A_374 : vector<16xi32>
      %lt3A_376 = arith.cmpi ult, %shift_left3A_375, %convert_element_type3A_180 : vector<16xi32>
      %broadcast_in_dim3A_377 = vector.broadcast %scan3A_101 : f32 to vector<16xf32>
      %broadcast_in_dim3A_378 = vector.broadcast %scan3A_102 : f32 to vector<16xf32>
      %select_n3A_379 = arith.select %lt3A_376, %broadcast_in_dim3A_377, %broadcast_in_dim3A_378 : vector<16xi1>, vector<16xf32>
      %mul3A_380 = vector.broadcast %scan3A_104 : f32 to vector<16xf32>
      %mul3A_381 = arith.mulf %select_n3A_243, %mul3A_380 : vector<16xf32>
      %sub3A_382 = arith.subf %select_n3A_343, %select_n3A_347 : vector<16xf32>
      %add3A_383 = arith.addf %mul3A_381, %sub3A_382 : vector<16xf32>
      %ge3A_384 = vector.broadcast %scan3A_105 : f32 to vector<16xf32>
      %ge3A_385 = arith.cmpf oge, %add3A_383, %ge3A_384 : vector<16xf32>
      %broadcast_in_dim3A_386 = vector.broadcast %scan3A_105 : f32 to vector<16xf32>
      %broadcast_in_dim3A_387 = vector.broadcast %scan3A_102 : f32 to vector<16xf32>
      %select_n3A_388 = arith.select %ge3A_385, %broadcast_in_dim3A_386, %broadcast_in_dim3A_387 : vector<16xi1>, vector<16xf32>
      %broadcast_in_dim3A_389 = vector.broadcast %scan3A_102 : f32 to vector<16xf32>
      %select_n3A_390 = arith.select %ge3A_385, %broadcast_in_dim3A_389, %add3A_383 : vector<16xi1>, vector<16xf32>
      %mul3A_391 = vector.broadcast %scan3A_104 : f32 to vector<16xf32>
      %mul3A_392 = arith.mulf %select_n3A_254, %mul3A_391 : vector<16xf32>
      %sub3A_393 = arith.subf %select_n3A_347, %select_n3A_351 : vector<16xf32>
      %add3A_394 = arith.addf %mul3A_392, %sub3A_393 : vector<16xf32>
      %ge3A_395 = vector.broadcast %scan3A_105 : f32 to vector<16xf32>
      %ge3A_396 = arith.cmpf oge, %add3A_394, %ge3A_395 : vector<16xf32>
      %broadcast_in_dim3A_397 = vector.broadcast %scan3A_105 : f32 to vector<16xf32>
      %broadcast_in_dim3A_398 = vector.broadcast %scan3A_102 : f32 to vector<16xf32>
      %select_n3A_399 = arith.select %ge3A_396, %broadcast_in_dim3A_397, %broadcast_in_dim3A_398 : vector<16xi1>, vector<16xf32>
      %broadcast_in_dim3A_400 = vector.broadcast %scan3A_102 : f32 to vector<16xf32>
      %select_n3A_401 = arith.select %ge3A_396, %broadcast_in_dim3A_400, %add3A_394 : vector<16xi1>, vector<16xf32>
      %mul3A_402 = vector.broadcast %scan3A_104 : f32 to vector<16xf32>
      %mul3A_403 = arith.mulf %select_n3A_265, %mul3A_402 : vector<16xf32>
      %sub3A_404 = arith.subf %select_n3A_351, %select_n3A_355 : vector<16xf32>
      %add3A_405 = arith.addf %mul3A_403, %sub3A_404 : vector<16xf32>
      %ge3A_406 = vector.broadcast %scan3A_105 : f32 to vector<16xf32>
      %ge3A_407 = arith.cmpf oge, %add3A_405, %ge3A_406 : vector<16xf32>
      %broadcast_in_dim3A_408 = vector.broadcast %scan3A_105 : f32 to vector<16xf32>
      %broadcast_in_dim3A_409 = vector.broadcast %scan3A_102 : f32 to vector<16xf32>
      %select_n3A_410 = arith.select %ge3A_407, %broadcast_in_dim3A_408, %broadcast_in_dim3A_409 : vector<16xi1>, vector<16xf32>
      %broadcast_in_dim3A_411 = vector.broadcast %scan3A_102 : f32 to vector<16xf32>
      %select_n3A_412 = arith.select %ge3A_407, %broadcast_in_dim3A_411, %add3A_405 : vector<16xi1>, vector<16xf32>
      %mul3A_413 = vector.broadcast %scan3A_104 : f32 to vector<16xf32>
      %mul3A_414 = arith.mulf %select_n3A_276, %mul3A_413 : vector<16xf32>
      %sub3A_415 = arith.subf %select_n3A_355, %select_n3A_361 : vector<16xf32>
      %add3A_416 = arith.addf %mul3A_414, %sub3A_415 : vector<16xf32>
      %ge3A_417 = vector.broadcast %scan3A_105 : f32 to vector<16xf32>
      %ge3A_418 = arith.cmpf oge, %add3A_416, %ge3A_417 : vector<16xf32>
      %broadcast_in_dim3A_419 = vector.broadcast %scan3A_105 : f32 to vector<16xf32>
      %broadcast_in_dim3A_420 = vector.broadcast %scan3A_102 : f32 to vector<16xf32>
      %select_n3A_421 = arith.select %ge3A_418, %broadcast_in_dim3A_419, %broadcast_in_dim3A_420 : vector<16xi1>, vector<16xf32>
      %broadcast_in_dim3A_422 = vector.broadcast %scan3A_102 : f32 to vector<16xf32>
      %select_n3A_423 = arith.select %ge3A_418, %broadcast_in_dim3A_422, %add3A_416 : vector<16xi1>, vector<16xf32>
      %mul3A_424 = vector.broadcast %scan3A_104 : f32 to vector<16xf32>
      %mul3A_425 = arith.mulf %select_n3A_287, %mul3A_424 : vector<16xf32>
      %sub3A_426 = arith.subf %select_n3A_361, %select_n3A_367 : vector<16xf32>
      %add3A_427 = arith.addf %mul3A_425, %sub3A_426 : vector<16xf32>
      %ge3A_428 = vector.broadcast %scan3A_105 : f32 to vector<16xf32>
      %ge3A_429 = arith.cmpf oge, %add3A_427, %ge3A_428 : vector<16xf32>
      %broadcast_in_dim3A_430 = vector.broadcast %scan3A_105 : f32 to vector<16xf32>
      %broadcast_in_dim3A_431 = vector.broadcast %scan3A_102 : f32 to vector<16xf32>
      %select_n3A_432 = arith.select %ge3A_429, %broadcast_in_dim3A_430, %broadcast_in_dim3A_431 : vector<16xi1>, vector<16xf32>
      %broadcast_in_dim3A_433 = vector.broadcast %scan3A_102 : f32 to vector<16xf32>
      %select_n3A_434 = arith.select %ge3A_429, %broadcast_in_dim3A_433, %add3A_427 : vector<16xi1>, vector<16xf32>
      %mul3A_435 = vector.broadcast %scan3A_104 : f32 to vector<16xf32>
      %mul3A_436 = arith.mulf %select_n3A_298, %mul3A_435 : vector<16xf32>
      %sub3A_437 = arith.subf %select_n3A_367, %select_n3A_373 : vector<16xf32>
      %add3A_438 = arith.addf %mul3A_436, %sub3A_437 : vector<16xf32>
      %ge3A_439 = vector.broadcast %scan3A_105 : f32 to vector<16xf32>
      %ge3A_440 = arith.cmpf oge, %add3A_438, %ge3A_439 : vector<16xf32>
      %broadcast_in_dim3A_441 = vector.broadcast %scan3A_105 : f32 to vector<16xf32>
      %broadcast_in_dim3A_442 = vector.broadcast %scan3A_102 : f32 to vector<16xf32>
      %select_n3A_443 = arith.select %ge3A_440, %broadcast_in_dim3A_441, %broadcast_in_dim3A_442 : vector<16xi1>, vector<16xf32>
      %broadcast_in_dim3A_444 = vector.broadcast %scan3A_102 : f32 to vector<16xf32>
      %select_n3A_445 = arith.select %ge3A_440, %broadcast_in_dim3A_444, %add3A_438 : vector<16xi1>, vector<16xf32>
      %sub3A_446 = arith.subf %select_n3A_388, %select_n3A_399 : vector<16xf32>
      %add3A_447 = arith.addf %sub3A_446, %select_n3A_410 : vector<16xf32>
      %sub3A_448 = arith.subf %add3A_447, %select_n3A_421 : vector<16xf32>
      %add3A_449 = arith.addf %sub3A_448, %select_n3A_432 : vector<16xf32>
      %sub3A_450 = arith.subf %add3A_449, %select_n3A_443 : vector<16xf32>
      %mul3A_451 = vector.broadcast %scan3A_101 : f32 to vector<16xf32>
      %mul3A_452 = arith.mulf %sub3A_450, %mul3A_451 : vector<16xf32>
      %neg3A_453 = arith.constant 0.000000e+00 : f32
      %neg3A_454 = vector.broadcast %neg3A_453 : f32 to vector<16xf32>
      %neg3A_455 = arith.subf %neg3A_454, %mul3A_452 : vector<16xf32>
      %mul3A_456 = vector.broadcast %scan3A_104 : f32 to vector<16xf32>
      %mul3A_457 = arith.mulf %select_n3A_314, %mul3A_456 : vector<16xf32>
      %add3A_458 = arith.addf %mul3A_457, %mul3A_452 : vector<16xf32>
      %ge3A_459 = vector.broadcast %scan3A_105 : f32 to vector<16xf32>
      %ge3A_460 = arith.cmpf oge, %add3A_458, %ge3A_459 : vector<16xf32>
      %broadcast_in_dim3A_461 = vector.broadcast %scan3A_102 : f32 to vector<16xf32>
      %select_n3A_462 = arith.select %ge3A_460, %broadcast_in_dim3A_461, %add3A_458 : vector<16xi1>, vector<16xf32>
      %add3A_463 = vector.broadcast %scan3A_105 : f32 to vector<16xf32>
      %add3A_464 = arith.addf %select_n3A_317, %add3A_463 : vector<16xf32>
      %select_n3A_465 = arith.select %ge3A_460, %add3A_464, %select_n3A_317 : vector<16xi1>, vector<16xf32>
      %mul3A_466 = vector.broadcast %scan3A_104 : f32 to vector<16xf32>
      %mul3A_467 = arith.mulf %select_n3A_324, %mul3A_466 : vector<16xf32>
      %add3A_468 = arith.addf %mul3A_467, %neg3A_455 : vector<16xf32>
      %ge3A_469 = vector.broadcast %scan3A_105 : f32 to vector<16xf32>
      %ge3A_470 = arith.cmpf oge, %add3A_468, %ge3A_469 : vector<16xf32>
      %broadcast_in_dim3A_471 = vector.broadcast %scan3A_102 : f32 to vector<16xf32>
      %select_n3A_472 = arith.select %ge3A_470, %broadcast_in_dim3A_471, %add3A_468 : vector<16xi1>, vector<16xf32>
      %add3A_473 = vector.broadcast %scan3A_105 : f32 to vector<16xf32>
      %add3A_474 = arith.addf %select_n3A_327, %add3A_473 : vector<16xf32>
      %select_n3A_475 = arith.select %ge3A_470, %add3A_474, %select_n3A_327 : vector<16xi1>, vector<16xf32>
      %mul3A_476 = arith.constant -1814600227 : i32
      %mul3A_477 = vector.broadcast %mul3A_476 : i32 to vector<16xi32>
      %mul3A_478 = arith.muli %mul3A_330, %mul3A_477 : vector<16xi32>
      %mul3A_479 = arith.constant -1814600227 : i32
      %mul3A_480 = vector.broadcast %mul3A_479 : i32 to vector<16xi32>
      %mul3A_481 = arith.muli %mul3A_333, %mul3A_480 : vector<16xi32>
      %mul3A_482 = arith.constant -1814600227 : i32
      %mul3A_483 = vector.broadcast %mul3A_482 : i32 to vector<16xi32>
      %mul3A_484 = arith.muli %mul3A_336, %mul3A_483 : vector<16xi32>
      %mul3A_485 = arith.constant -1814600227 : i32
      %mul3A_486 = vector.broadcast %mul3A_485 : i32 to vector<16xi32>
      %mul3A_487 = arith.muli %mul3A_339, %mul3A_486 : vector<16xi32>
      %lt3A_488 = arith.cmpi ult, %mul3A_478, %convert_element_type3A : vector<16xi32>
      %broadcast_in_dim3A_489 = vector.broadcast %scan3A_101 : f32 to vector<16xf32>
      %broadcast_in_dim3A_490 = vector.broadcast %scan3A_102 : f32 to vector<16xf32>
      %select_n3A_491 = arith.select %lt3A_488, %broadcast_in_dim3A_489, %broadcast_in_dim3A_490 : vector<16xi1>, vector<16xf32>
      %lt3A_492 = arith.cmpi ult, %mul3A_481, %convert_element_type3A_132 : vector<16xi32>
      %broadcast_in_dim3A_493 = vector.broadcast %scan3A_101 : f32 to vector<16xf32>
      %broadcast_in_dim3A_494 = vector.broadcast %scan3A_102 : f32 to vector<16xf32>
      %select_n3A_495 = arith.select %lt3A_492, %broadcast_in_dim3A_493, %broadcast_in_dim3A_494 : vector<16xi1>, vector<16xf32>
      %lt3A_496 = arith.cmpi ult, %mul3A_484, %convert_element_type3A_140 : vector<16xi32>
      %broadcast_in_dim3A_497 = vector.broadcast %scan3A_101 : f32 to vector<16xf32>
      %broadcast_in_dim3A_498 = vector.broadcast %scan3A_102 : f32 to vector<16xf32>
      %select_n3A_499 = arith.select %lt3A_496, %broadcast_in_dim3A_497, %broadcast_in_dim3A_498 : vector<16xi1>, vector<16xf32>
      %lt3A_500 = arith.cmpi ult, %mul3A_487, %convert_element_type3A_148 : vector<16xi32>
      %broadcast_in_dim3A_501 = vector.broadcast %scan3A_101 : f32 to vector<16xf32>
      %broadcast_in_dim3A_502 = vector.broadcast %scan3A_102 : f32 to vector<16xf32>
      %select_n3A_503 = arith.select %lt3A_500, %broadcast_in_dim3A_501, %broadcast_in_dim3A_502 : vector<16xi1>, vector<16xf32>
      %shift_left3A_504 = vector.broadcast %scan3A_103 : i32 to vector<16xi32>
      %shift_left3A_505 = arith.shli %mul3A_478, %shift_left3A_504 : vector<16xi32>
      %lt3A_506 = arith.cmpi ult, %shift_left3A_505, %convert_element_type3A_156 : vector<16xi32>
      %broadcast_in_dim3A_507 = vector.broadcast %scan3A_101 : f32 to vector<16xf32>
      %broadcast_in_dim3A_508 = vector.broadcast %scan3A_102 : f32 to vector<16xf32>
      %select_n3A_509 = arith.select %lt3A_506, %broadcast_in_dim3A_507, %broadcast_in_dim3A_508 : vector<16xi1>, vector<16xf32>
      %shift_left3A_510 = vector.broadcast %scan3A_103 : i32 to vector<16xi32>
      %shift_left3A_511 = arith.shli %mul3A_481, %shift_left3A_510 : vector<16xi32>
      %lt3A_512 = arith.cmpi ult, %shift_left3A_511, %convert_element_type3A_164 : vector<16xi32>
      %broadcast_in_dim3A_513 = vector.broadcast %scan3A_101 : f32 to vector<16xf32>
      %broadcast_in_dim3A_514 = vector.broadcast %scan3A_102 : f32 to vector<16xf32>
      %select_n3A_515 = arith.select %lt3A_512, %broadcast_in_dim3A_513, %broadcast_in_dim3A_514 : vector<16xi1>, vector<16xf32>
      %shift_left3A_516 = vector.broadcast %scan3A_103 : i32 to vector<16xi32>
      %shift_left3A_517 = arith.shli %mul3A_484, %shift_left3A_516 : vector<16xi32>
      %lt3A_518 = arith.cmpi ult, %shift_left3A_517, %convert_element_type3A_172 : vector<16xi32>
      %broadcast_in_dim3A_519 = vector.broadcast %scan3A_101 : f32 to vector<16xf32>
      %broadcast_in_dim3A_520 = vector.broadcast %scan3A_102 : f32 to vector<16xf32>
      %select_n3A_521 = arith.select %lt3A_518, %broadcast_in_dim3A_519, %broadcast_in_dim3A_520 : vector<16xi1>, vector<16xf32>
      %shift_left3A_522 = vector.broadcast %scan3A_103 : i32 to vector<16xi32>
      %shift_left3A_523 = arith.shli %mul3A_487, %shift_left3A_522 : vector<16xi32>
      %lt3A_524 = arith.cmpi ult, %shift_left3A_523, %convert_element_type3A_180 : vector<16xi32>
      %broadcast_in_dim3A_525 = vector.broadcast %scan3A_101 : f32 to vector<16xf32>
      %broadcast_in_dim3A_526 = vector.broadcast %scan3A_102 : f32 to vector<16xf32>
      %select_n3A_527 = arith.select %lt3A_524, %broadcast_in_dim3A_525, %broadcast_in_dim3A_526 : vector<16xi1>, vector<16xf32>
      %mul3A_528 = vector.broadcast %scan3A_104 : f32 to vector<16xf32>
      %mul3A_529 = arith.mulf %select_n3A_390, %mul3A_528 : vector<16xf32>
      %sub3A_530 = arith.subf %select_n3A_491, %select_n3A_495 : vector<16xf32>
      %add3A_531 = arith.addf %mul3A_529, %sub3A_530 : vector<16xf32>
      %ge3A_532 = vector.broadcast %scan3A_105 : f32 to vector<16xf32>
      %ge3A_533 = arith.cmpf oge, %add3A_531, %ge3A_532 : vector<16xf32>
      %broadcast_in_dim3A_534 = vector.broadcast %scan3A_105 : f32 to vector<16xf32>
      %broadcast_in_dim3A_535 = vector.broadcast %scan3A_102 : f32 to vector<16xf32>
      %select_n3A_536 = arith.select %ge3A_533, %broadcast_in_dim3A_534, %broadcast_in_dim3A_535 : vector<16xi1>, vector<16xf32>
      %broadcast_in_dim3A_537 = vector.broadcast %scan3A_102 : f32 to vector<16xf32>
      %select_n3A_538 = arith.select %ge3A_533, %broadcast_in_dim3A_537, %add3A_531 : vector<16xi1>, vector<16xf32>
      %mul3A_539 = vector.broadcast %scan3A_104 : f32 to vector<16xf32>
      %mul3A_540 = arith.mulf %select_n3A_401, %mul3A_539 : vector<16xf32>
      %sub3A_541 = arith.subf %select_n3A_495, %select_n3A_499 : vector<16xf32>
      %add3A_542 = arith.addf %mul3A_540, %sub3A_541 : vector<16xf32>
      %ge3A_543 = vector.broadcast %scan3A_105 : f32 to vector<16xf32>
      %ge3A_544 = arith.cmpf oge, %add3A_542, %ge3A_543 : vector<16xf32>
      %broadcast_in_dim3A_545 = vector.broadcast %scan3A_105 : f32 to vector<16xf32>
      %broadcast_in_dim3A_546 = vector.broadcast %scan3A_102 : f32 to vector<16xf32>
      %select_n3A_547 = arith.select %ge3A_544, %broadcast_in_dim3A_545, %broadcast_in_dim3A_546 : vector<16xi1>, vector<16xf32>
      %broadcast_in_dim3A_548 = vector.broadcast %scan3A_102 : f32 to vector<16xf32>
      %select_n3A_549 = arith.select %ge3A_544, %broadcast_in_dim3A_548, %add3A_542 : vector<16xi1>, vector<16xf32>
      %mul3A_550 = vector.broadcast %scan3A_104 : f32 to vector<16xf32>
      %mul3A_551 = arith.mulf %select_n3A_412, %mul3A_550 : vector<16xf32>
      %sub3A_552 = arith.subf %select_n3A_499, %select_n3A_503 : vector<16xf32>
      %add3A_553 = arith.addf %mul3A_551, %sub3A_552 : vector<16xf32>
      %ge3A_554 = vector.broadcast %scan3A_105 : f32 to vector<16xf32>
      %ge3A_555 = arith.cmpf oge, %add3A_553, %ge3A_554 : vector<16xf32>
      %broadcast_in_dim3A_556 = vector.broadcast %scan3A_105 : f32 to vector<16xf32>
      %broadcast_in_dim3A_557 = vector.broadcast %scan3A_102 : f32 to vector<16xf32>
      %select_n3A_558 = arith.select %ge3A_555, %broadcast_in_dim3A_556, %broadcast_in_dim3A_557 : vector<16xi1>, vector<16xf32>
      %broadcast_in_dim3A_559 = vector.broadcast %scan3A_102 : f32 to vector<16xf32>
      %select_n3A_560 = arith.select %ge3A_555, %broadcast_in_dim3A_559, %add3A_553 : vector<16xi1>, vector<16xf32>
      %mul3A_561 = vector.broadcast %scan3A_104 : f32 to vector<16xf32>
      %mul3A_562 = arith.mulf %select_n3A_423, %mul3A_561 : vector<16xf32>
      %sub3A_563 = arith.subf %select_n3A_503, %select_n3A_509 : vector<16xf32>
      %add3A_564 = arith.addf %mul3A_562, %sub3A_563 : vector<16xf32>
      %ge3A_565 = vector.broadcast %scan3A_105 : f32 to vector<16xf32>
      %ge3A_566 = arith.cmpf oge, %add3A_564, %ge3A_565 : vector<16xf32>
      %broadcast_in_dim3A_567 = vector.broadcast %scan3A_105 : f32 to vector<16xf32>
      %broadcast_in_dim3A_568 = vector.broadcast %scan3A_102 : f32 to vector<16xf32>
      %select_n3A_569 = arith.select %ge3A_566, %broadcast_in_dim3A_567, %broadcast_in_dim3A_568 : vector<16xi1>, vector<16xf32>
      %broadcast_in_dim3A_570 = vector.broadcast %scan3A_102 : f32 to vector<16xf32>
      %select_n3A_571 = arith.select %ge3A_566, %broadcast_in_dim3A_570, %add3A_564 : vector<16xi1>, vector<16xf32>
      %mul3A_572 = vector.broadcast %scan3A_104 : f32 to vector<16xf32>
      %mul3A_573 = arith.mulf %select_n3A_434, %mul3A_572 : vector<16xf32>
      %sub3A_574 = arith.subf %select_n3A_509, %select_n3A_515 : vector<16xf32>
      %add3A_575 = arith.addf %mul3A_573, %sub3A_574 : vector<16xf32>
      %ge3A_576 = vector.broadcast %scan3A_105 : f32 to vector<16xf32>
      %ge3A_577 = arith.cmpf oge, %add3A_575, %ge3A_576 : vector<16xf32>
      %broadcast_in_dim3A_578 = vector.broadcast %scan3A_105 : f32 to vector<16xf32>
      %broadcast_in_dim3A_579 = vector.broadcast %scan3A_102 : f32 to vector<16xf32>
      %select_n3A_580 = arith.select %ge3A_577, %broadcast_in_dim3A_578, %broadcast_in_dim3A_579 : vector<16xi1>, vector<16xf32>
      %broadcast_in_dim3A_581 = vector.broadcast %scan3A_102 : f32 to vector<16xf32>
      %select_n3A_582 = arith.select %ge3A_577, %broadcast_in_dim3A_581, %add3A_575 : vector<16xi1>, vector<16xf32>
      %mul3A_583 = vector.broadcast %scan3A_104 : f32 to vector<16xf32>
      %mul3A_584 = arith.mulf %select_n3A_445, %mul3A_583 : vector<16xf32>
      %sub3A_585 = arith.subf %select_n3A_515, %select_n3A_521 : vector<16xf32>
      %add3A_586 = arith.addf %mul3A_584, %sub3A_585 : vector<16xf32>
      %ge3A_587 = vector.broadcast %scan3A_105 : f32 to vector<16xf32>
      %ge3A_588 = arith.cmpf oge, %add3A_586, %ge3A_587 : vector<16xf32>
      %broadcast_in_dim3A_589 = vector.broadcast %scan3A_105 : f32 to vector<16xf32>
      %broadcast_in_dim3A_590 = vector.broadcast %scan3A_102 : f32 to vector<16xf32>
      %select_n3A_591 = arith.select %ge3A_588, %broadcast_in_dim3A_589, %broadcast_in_dim3A_590 : vector<16xi1>, vector<16xf32>
      %broadcast_in_dim3A_592 = vector.broadcast %scan3A_102 : f32 to vector<16xf32>
      %select_n3A_593 = arith.select %ge3A_588, %broadcast_in_dim3A_592, %add3A_586 : vector<16xi1>, vector<16xf32>
      %sub3A_594 = arith.subf %select_n3A_536, %select_n3A_547 : vector<16xf32>
      %add3A_595 = arith.addf %sub3A_594, %select_n3A_558 : vector<16xf32>
      %sub3A_596 = arith.subf %add3A_595, %select_n3A_569 : vector<16xf32>
      %add3A_597 = arith.addf %sub3A_596, %select_n3A_580 : vector<16xf32>
      %sub3A_598 = arith.subf %add3A_597, %select_n3A_591 : vector<16xf32>
      %mul3A_599 = vector.broadcast %scan3A_101 : f32 to vector<16xf32>
      %mul3A_600 = arith.mulf %sub3A_598, %mul3A_599 : vector<16xf32>
      %neg3A_601 = arith.constant 0.000000e+00 : f32
      %neg3A_602 = vector.broadcast %neg3A_601 : f32 to vector<16xf32>
      %neg3A_603 = arith.subf %neg3A_602, %mul3A_600 : vector<16xf32>
      %mul3A_604 = vector.broadcast %scan3A_104 : f32 to vector<16xf32>
      %mul3A_605 = arith.mulf %select_n3A_462, %mul3A_604 : vector<16xf32>
      %add3A_606 = arith.addf %mul3A_605, %mul3A_600 : vector<16xf32>
      %ge3A_607 = vector.broadcast %scan3A_105 : f32 to vector<16xf32>
      %ge3A_608 = arith.cmpf oge, %add3A_606, %ge3A_607 : vector<16xf32>
      %broadcast_in_dim3A_609 = vector.broadcast %scan3A_102 : f32 to vector<16xf32>
      %select_n3A_610 = arith.select %ge3A_608, %broadcast_in_dim3A_609, %add3A_606 : vector<16xi1>, vector<16xf32>
      %add3A_611 = vector.broadcast %scan3A_105 : f32 to vector<16xf32>
      %add3A_612 = arith.addf %select_n3A_465, %add3A_611 : vector<16xf32>
      %select_n3A_613 = arith.select %ge3A_608, %add3A_612, %select_n3A_465 : vector<16xi1>, vector<16xf32>
      %mul3A_614 = vector.broadcast %scan3A_104 : f32 to vector<16xf32>
      %mul3A_615 = arith.mulf %select_n3A_472, %mul3A_614 : vector<16xf32>
      %add3A_616 = arith.addf %mul3A_615, %neg3A_603 : vector<16xf32>
      %ge3A_617 = vector.broadcast %scan3A_105 : f32 to vector<16xf32>
      %ge3A_618 = arith.cmpf oge, %add3A_616, %ge3A_617 : vector<16xf32>
      %broadcast_in_dim3A_619 = vector.broadcast %scan3A_102 : f32 to vector<16xf32>
      %select_n3A_620 = arith.select %ge3A_618, %broadcast_in_dim3A_619, %add3A_616 : vector<16xi1>, vector<16xf32>
      %add3A_621 = vector.broadcast %scan3A_105 : f32 to vector<16xf32>
      %add3A_622 = arith.addf %select_n3A_475, %add3A_621 : vector<16xf32>
      %select_n3A_623 = arith.select %ge3A_618, %add3A_622, %select_n3A_475 : vector<16xi1>, vector<16xf32>
      %mul3A_624 = arith.constant -1814600227 : i32
      %mul3A_625 = vector.broadcast %mul3A_624 : i32 to vector<16xi32>
      %mul3A_626 = arith.muli %mul3A_478, %mul3A_625 : vector<16xi32>
      %mul3A_627 = arith.constant -1814600227 : i32
      %mul3A_628 = vector.broadcast %mul3A_627 : i32 to vector<16xi32>
      %mul3A_629 = arith.muli %mul3A_481, %mul3A_628 : vector<16xi32>
      %mul3A_630 = arith.constant -1814600227 : i32
      %mul3A_631 = vector.broadcast %mul3A_630 : i32 to vector<16xi32>
      %mul3A_632 = arith.muli %mul3A_484, %mul3A_631 : vector<16xi32>
      %mul3A_633 = arith.constant -1814600227 : i32
      %mul3A_634 = vector.broadcast %mul3A_633 : i32 to vector<16xi32>
      %mul3A_635 = arith.muli %mul3A_487, %mul3A_634 : vector<16xi32>
      %lt3A_636 = arith.cmpi ult, %mul3A_626, %convert_element_type3A : vector<16xi32>
      %broadcast_in_dim3A_637 = vector.broadcast %scan3A_101 : f32 to vector<16xf32>
      %broadcast_in_dim3A_638 = vector.broadcast %scan3A_102 : f32 to vector<16xf32>
      %select_n3A_639 = arith.select %lt3A_636, %broadcast_in_dim3A_637, %broadcast_in_dim3A_638 : vector<16xi1>, vector<16xf32>
      %lt3A_640 = arith.cmpi ult, %mul3A_629, %convert_element_type3A_132 : vector<16xi32>
      %broadcast_in_dim3A_641 = vector.broadcast %scan3A_101 : f32 to vector<16xf32>
      %broadcast_in_dim3A_642 = vector.broadcast %scan3A_102 : f32 to vector<16xf32>
      %select_n3A_643 = arith.select %lt3A_640, %broadcast_in_dim3A_641, %broadcast_in_dim3A_642 : vector<16xi1>, vector<16xf32>
      %lt3A_644 = arith.cmpi ult, %mul3A_632, %convert_element_type3A_140 : vector<16xi32>
      %broadcast_in_dim3A_645 = vector.broadcast %scan3A_101 : f32 to vector<16xf32>
      %broadcast_in_dim3A_646 = vector.broadcast %scan3A_102 : f32 to vector<16xf32>
      %select_n3A_647 = arith.select %lt3A_644, %broadcast_in_dim3A_645, %broadcast_in_dim3A_646 : vector<16xi1>, vector<16xf32>
      %lt3A_648 = arith.cmpi ult, %mul3A_635, %convert_element_type3A_148 : vector<16xi32>
      %broadcast_in_dim3A_649 = vector.broadcast %scan3A_101 : f32 to vector<16xf32>
      %broadcast_in_dim3A_650 = vector.broadcast %scan3A_102 : f32 to vector<16xf32>
      %select_n3A_651 = arith.select %lt3A_648, %broadcast_in_dim3A_649, %broadcast_in_dim3A_650 : vector<16xi1>, vector<16xf32>
      %shift_left3A_652 = vector.broadcast %scan3A_103 : i32 to vector<16xi32>
      %shift_left3A_653 = arith.shli %mul3A_626, %shift_left3A_652 : vector<16xi32>
      %lt3A_654 = arith.cmpi ult, %shift_left3A_653, %convert_element_type3A_156 : vector<16xi32>
      %broadcast_in_dim3A_655 = vector.broadcast %scan3A_101 : f32 to vector<16xf32>
      %broadcast_in_dim3A_656 = vector.broadcast %scan3A_102 : f32 to vector<16xf32>
      %select_n3A_657 = arith.select %lt3A_654, %broadcast_in_dim3A_655, %broadcast_in_dim3A_656 : vector<16xi1>, vector<16xf32>
      %shift_left3A_658 = vector.broadcast %scan3A_103 : i32 to vector<16xi32>
      %shift_left3A_659 = arith.shli %mul3A_629, %shift_left3A_658 : vector<16xi32>
      %lt3A_660 = arith.cmpi ult, %shift_left3A_659, %convert_element_type3A_164 : vector<16xi32>
      %broadcast_in_dim3A_661 = vector.broadcast %scan3A_101 : f32 to vector<16xf32>
      %broadcast_in_dim3A_662 = vector.broadcast %scan3A_102 : f32 to vector<16xf32>
      %select_n3A_663 = arith.select %lt3A_660, %broadcast_in_dim3A_661, %broadcast_in_dim3A_662 : vector<16xi1>, vector<16xf32>
      %shift_left3A_664 = vector.broadcast %scan3A_103 : i32 to vector<16xi32>
      %shift_left3A_665 = arith.shli %mul3A_632, %shift_left3A_664 : vector<16xi32>
      %lt3A_666 = arith.cmpi ult, %shift_left3A_665, %convert_element_type3A_172 : vector<16xi32>
      %broadcast_in_dim3A_667 = vector.broadcast %scan3A_101 : f32 to vector<16xf32>
      %broadcast_in_dim3A_668 = vector.broadcast %scan3A_102 : f32 to vector<16xf32>
      %select_n3A_669 = arith.select %lt3A_666, %broadcast_in_dim3A_667, %broadcast_in_dim3A_668 : vector<16xi1>, vector<16xf32>
      %shift_left3A_670 = vector.broadcast %scan3A_103 : i32 to vector<16xi32>
      %shift_left3A_671 = arith.shli %mul3A_635, %shift_left3A_670 : vector<16xi32>
      %lt3A_672 = arith.cmpi ult, %shift_left3A_671, %convert_element_type3A_180 : vector<16xi32>
      %broadcast_in_dim3A_673 = vector.broadcast %scan3A_101 : f32 to vector<16xf32>
      %broadcast_in_dim3A_674 = vector.broadcast %scan3A_102 : f32 to vector<16xf32>
      %select_n3A_675 = arith.select %lt3A_672, %broadcast_in_dim3A_673, %broadcast_in_dim3A_674 : vector<16xi1>, vector<16xf32>
      %mul3A_676 = vector.broadcast %scan3A_104 : f32 to vector<16xf32>
      %mul3A_677 = arith.mulf %select_n3A_538, %mul3A_676 : vector<16xf32>
      %sub3A_678 = arith.subf %select_n3A_639, %select_n3A_643 : vector<16xf32>
      %add3A_679 = arith.addf %mul3A_677, %sub3A_678 : vector<16xf32>
      %ge3A_680 = vector.broadcast %scan3A_105 : f32 to vector<16xf32>
      %ge3A_681 = arith.cmpf oge, %add3A_679, %ge3A_680 : vector<16xf32>
      %broadcast_in_dim3A_682 = vector.broadcast %scan3A_105 : f32 to vector<16xf32>
      %broadcast_in_dim3A_683 = vector.broadcast %scan3A_102 : f32 to vector<16xf32>
      %select_n3A_684 = arith.select %ge3A_681, %broadcast_in_dim3A_682, %broadcast_in_dim3A_683 : vector<16xi1>, vector<16xf32>
      %broadcast_in_dim3A_685 = vector.broadcast %scan3A_102 : f32 to vector<16xf32>
      %select_n3A_686 = arith.select %ge3A_681, %broadcast_in_dim3A_685, %add3A_679 : vector<16xi1>, vector<16xf32>
      %mul3A_687 = vector.broadcast %scan3A_104 : f32 to vector<16xf32>
      %mul3A_688 = arith.mulf %select_n3A_549, %mul3A_687 : vector<16xf32>
      %sub3A_689 = arith.subf %select_n3A_643, %select_n3A_647 : vector<16xf32>
      %add3A_690 = arith.addf %mul3A_688, %sub3A_689 : vector<16xf32>
      %ge3A_691 = vector.broadcast %scan3A_105 : f32 to vector<16xf32>
      %ge3A_692 = arith.cmpf oge, %add3A_690, %ge3A_691 : vector<16xf32>
      %broadcast_in_dim3A_693 = vector.broadcast %scan3A_105 : f32 to vector<16xf32>
      %broadcast_in_dim3A_694 = vector.broadcast %scan3A_102 : f32 to vector<16xf32>
      %select_n3A_695 = arith.select %ge3A_692, %broadcast_in_dim3A_693, %broadcast_in_dim3A_694 : vector<16xi1>, vector<16xf32>
      %broadcast_in_dim3A_696 = vector.broadcast %scan3A_102 : f32 to vector<16xf32>
      %select_n3A_697 = arith.select %ge3A_692, %broadcast_in_dim3A_696, %add3A_690 : vector<16xi1>, vector<16xf32>
      %mul3A_698 = vector.broadcast %scan3A_104 : f32 to vector<16xf32>
      %mul3A_699 = arith.mulf %select_n3A_560, %mul3A_698 : vector<16xf32>
      %sub3A_700 = arith.subf %select_n3A_647, %select_n3A_651 : vector<16xf32>
      %add3A_701 = arith.addf %mul3A_699, %sub3A_700 : vector<16xf32>
      %ge3A_702 = vector.broadcast %scan3A_105 : f32 to vector<16xf32>
      %ge3A_703 = arith.cmpf oge, %add3A_701, %ge3A_702 : vector<16xf32>
      %broadcast_in_dim3A_704 = vector.broadcast %scan3A_105 : f32 to vector<16xf32>
      %broadcast_in_dim3A_705 = vector.broadcast %scan3A_102 : f32 to vector<16xf32>
      %select_n3A_706 = arith.select %ge3A_703, %broadcast_in_dim3A_704, %broadcast_in_dim3A_705 : vector<16xi1>, vector<16xf32>
      %broadcast_in_dim3A_707 = vector.broadcast %scan3A_102 : f32 to vector<16xf32>
      %select_n3A_708 = arith.select %ge3A_703, %broadcast_in_dim3A_707, %add3A_701 : vector<16xi1>, vector<16xf32>
      %mul3A_709 = vector.broadcast %scan3A_104 : f32 to vector<16xf32>
      %mul3A_710 = arith.mulf %select_n3A_571, %mul3A_709 : vector<16xf32>
      %sub3A_711 = arith.subf %select_n3A_651, %select_n3A_657 : vector<16xf32>
      %add3A_712 = arith.addf %mul3A_710, %sub3A_711 : vector<16xf32>
      %ge3A_713 = vector.broadcast %scan3A_105 : f32 to vector<16xf32>
      %ge3A_714 = arith.cmpf oge, %add3A_712, %ge3A_713 : vector<16xf32>
      %broadcast_in_dim3A_715 = vector.broadcast %scan3A_105 : f32 to vector<16xf32>
      %broadcast_in_dim3A_716 = vector.broadcast %scan3A_102 : f32 to vector<16xf32>
      %select_n3A_717 = arith.select %ge3A_714, %broadcast_in_dim3A_715, %broadcast_in_dim3A_716 : vector<16xi1>, vector<16xf32>
      %broadcast_in_dim3A_718 = vector.broadcast %scan3A_102 : f32 to vector<16xf32>
      %select_n3A_719 = arith.select %ge3A_714, %broadcast_in_dim3A_718, %add3A_712 : vector<16xi1>, vector<16xf32>
      %mul3A_720 = vector.broadcast %scan3A_104 : f32 to vector<16xf32>
      %mul3A_721 = arith.mulf %select_n3A_582, %mul3A_720 : vector<16xf32>
      %sub3A_722 = arith.subf %select_n3A_657, %select_n3A_663 : vector<16xf32>
      %add3A_723 = arith.addf %mul3A_721, %sub3A_722 : vector<16xf32>
      %ge3A_724 = vector.broadcast %scan3A_105 : f32 to vector<16xf32>
      %ge3A_725 = arith.cmpf oge, %add3A_723, %ge3A_724 : vector<16xf32>
      %broadcast_in_dim3A_726 = vector.broadcast %scan3A_105 : f32 to vector<16xf32>
      %broadcast_in_dim3A_727 = vector.broadcast %scan3A_102 : f32 to vector<16xf32>
      %select_n3A_728 = arith.select %ge3A_725, %broadcast_in_dim3A_726, %broadcast_in_dim3A_727 : vector<16xi1>, vector<16xf32>
      %broadcast_in_dim3A_729 = vector.broadcast %scan3A_102 : f32 to vector<16xf32>
      %select_n3A_730 = arith.select %ge3A_725, %broadcast_in_dim3A_729, %add3A_723 : vector<16xi1>, vector<16xf32>
      %mul3A_731 = vector.broadcast %scan3A_104 : f32 to vector<16xf32>
      %mul3A_732 = arith.mulf %select_n3A_593, %mul3A_731 : vector<16xf32>
      %sub3A_733 = arith.subf %select_n3A_663, %select_n3A_669 : vector<16xf32>
      %add3A_734 = arith.addf %mul3A_732, %sub3A_733 : vector<16xf32>
      %ge3A_735 = vector.broadcast %scan3A_105 : f32 to vector<16xf32>
      %ge3A_736 = arith.cmpf oge, %add3A_734, %ge3A_735 : vector<16xf32>
      %broadcast_in_dim3A_737 = vector.broadcast %scan3A_105 : f32 to vector<16xf32>
      %broadcast_in_dim3A_738 = vector.broadcast %scan3A_102 : f32 to vector<16xf32>
      %select_n3A_739 = arith.select %ge3A_736, %broadcast_in_dim3A_737, %broadcast_in_dim3A_738 : vector<16xi1>, vector<16xf32>
      %broadcast_in_dim3A_740 = vector.broadcast %scan3A_102 : f32 to vector<16xf32>
      %select_n3A_741 = arith.select %ge3A_736, %broadcast_in_dim3A_740, %add3A_734 : vector<16xi1>, vector<16xf32>
      %sub3A_742 = arith.subf %select_n3A_684, %select_n3A_695 : vector<16xf32>
      %add3A_743 = arith.addf %sub3A_742, %select_n3A_706 : vector<16xf32>
      %sub3A_744 = arith.subf %add3A_743, %select_n3A_717 : vector<16xf32>
      %add3A_745 = arith.addf %sub3A_744, %select_n3A_728 : vector<16xf32>
      %sub3A_746 = arith.subf %add3A_745, %select_n3A_739 : vector<16xf32>
      %mul3A_747 = vector.broadcast %scan3A_101 : f32 to vector<16xf32>
      %mul3A_748 = arith.mulf %sub3A_746, %mul3A_747 : vector<16xf32>
      %neg3A_749 = arith.constant 0.000000e+00 : f32
      %neg3A_750 = vector.broadcast %neg3A_749 : f32 to vector<16xf32>
      %neg3A_751 = arith.subf %neg3A_750, %mul3A_748 : vector<16xf32>
      %mul3A_752 = vector.broadcast %scan3A_104 : f32 to vector<16xf32>
      %mul3A_753 = arith.mulf %select_n3A_610, %mul3A_752 : vector<16xf32>
      %add3A_754 = arith.addf %mul3A_753, %mul3A_748 : vector<16xf32>
      %ge3A_755 = vector.broadcast %scan3A_105 : f32 to vector<16xf32>
      %ge3A_756 = arith.cmpf oge, %add3A_754, %ge3A_755 : vector<16xf32>
      %broadcast_in_dim3A_757 = vector.broadcast %scan3A_102 : f32 to vector<16xf32>
      %select_n3A_758 = arith.select %ge3A_756, %broadcast_in_dim3A_757, %add3A_754 : vector<16xi1>, vector<16xf32>
      %add3A_759 = vector.broadcast %scan3A_105 : f32 to vector<16xf32>
      %add3A_760 = arith.addf %select_n3A_613, %add3A_759 : vector<16xf32>
      %select_n3A_761 = arith.select %ge3A_756, %add3A_760, %select_n3A_613 : vector<16xi1>, vector<16xf32>
      %mul3A_762 = vector.broadcast %scan3A_104 : f32 to vector<16xf32>
      %mul3A_763 = arith.mulf %select_n3A_620, %mul3A_762 : vector<16xf32>
      %add3A_764 = arith.addf %mul3A_763, %neg3A_751 : vector<16xf32>
      %ge3A_765 = vector.broadcast %scan3A_105 : f32 to vector<16xf32>
      %ge3A_766 = arith.cmpf oge, %add3A_764, %ge3A_765 : vector<16xf32>
      %broadcast_in_dim3A_767 = vector.broadcast %scan3A_102 : f32 to vector<16xf32>
      %select_n3A_768 = arith.select %ge3A_766, %broadcast_in_dim3A_767, %add3A_764 : vector<16xi1>, vector<16xf32>
      %add3A_769 = vector.broadcast %scan3A_105 : f32 to vector<16xf32>
      %add3A_770 = arith.addf %select_n3A_623, %add3A_769 : vector<16xf32>
      %select_n3A_771 = arith.select %ge3A_766, %add3A_770, %select_n3A_623 : vector<16xi1>, vector<16xf32>
      %mul3A_772 = arith.constant -1814600227 : i32
      %mul3A_773 = vector.broadcast %mul3A_772 : i32 to vector<16xi32>
      %mul3A_774 = arith.muli %mul3A_626, %mul3A_773 : vector<16xi32>
      %mul3A_775 = arith.constant -1814600227 : i32
      %mul3A_776 = vector.broadcast %mul3A_775 : i32 to vector<16xi32>
      %mul3A_777 = arith.muli %mul3A_629, %mul3A_776 : vector<16xi32>
      %mul3A_778 = arith.constant -1814600227 : i32
      %mul3A_779 = vector.broadcast %mul3A_778 : i32 to vector<16xi32>
      %mul3A_780 = arith.muli %mul3A_632, %mul3A_779 : vector<16xi32>
      %mul3A_781 = arith.constant -1814600227 : i32
      %mul3A_782 = vector.broadcast %mul3A_781 : i32 to vector<16xi32>
      %mul3A_783 = arith.muli %mul3A_635, %mul3A_782 : vector<16xi32>
      %lt3A_784 = arith.cmpi ult, %mul3A_774, %convert_element_type3A : vector<16xi32>
      %broadcast_in_dim3A_785 = vector.broadcast %scan3A_101 : f32 to vector<16xf32>
      %broadcast_in_dim3A_786 = vector.broadcast %scan3A_102 : f32 to vector<16xf32>
      %select_n3A_787 = arith.select %lt3A_784, %broadcast_in_dim3A_785, %broadcast_in_dim3A_786 : vector<16xi1>, vector<16xf32>
      %lt3A_788 = arith.cmpi ult, %mul3A_777, %convert_element_type3A_132 : vector<16xi32>
      %broadcast_in_dim3A_789 = vector.broadcast %scan3A_101 : f32 to vector<16xf32>
      %broadcast_in_dim3A_790 = vector.broadcast %scan3A_102 : f32 to vector<16xf32>
      %select_n3A_791 = arith.select %lt3A_788, %broadcast_in_dim3A_789, %broadcast_in_dim3A_790 : vector<16xi1>, vector<16xf32>
      %lt3A_792 = arith.cmpi ult, %mul3A_780, %convert_element_type3A_140 : vector<16xi32>
      %broadcast_in_dim3A_793 = vector.broadcast %scan3A_101 : f32 to vector<16xf32>
      %broadcast_in_dim3A_794 = vector.broadcast %scan3A_102 : f32 to vector<16xf32>
      %select_n3A_795 = arith.select %lt3A_792, %broadcast_in_dim3A_793, %broadcast_in_dim3A_794 : vector<16xi1>, vector<16xf32>
      %lt3A_796 = arith.cmpi ult, %mul3A_783, %convert_element_type3A_148 : vector<16xi32>
      %broadcast_in_dim3A_797 = vector.broadcast %scan3A_101 : f32 to vector<16xf32>
      %broadcast_in_dim3A_798 = vector.broadcast %scan3A_102 : f32 to vector<16xf32>
      %select_n3A_799 = arith.select %lt3A_796, %broadcast_in_dim3A_797, %broadcast_in_dim3A_798 : vector<16xi1>, vector<16xf32>
      %shift_left3A_800 = vector.broadcast %scan3A_103 : i32 to vector<16xi32>
      %shift_left3A_801 = arith.shli %mul3A_774, %shift_left3A_800 : vector<16xi32>
      %lt3A_802 = arith.cmpi ult, %shift_left3A_801, %convert_element_type3A_156 : vector<16xi32>
      %broadcast_in_dim3A_803 = vector.broadcast %scan3A_101 : f32 to vector<16xf32>
      %broadcast_in_dim3A_804 = vector.broadcast %scan3A_102 : f32 to vector<16xf32>
      %select_n3A_805 = arith.select %lt3A_802, %broadcast_in_dim3A_803, %broadcast_in_dim3A_804 : vector<16xi1>, vector<16xf32>
      %shift_left3A_806 = vector.broadcast %scan3A_103 : i32 to vector<16xi32>
      %shift_left3A_807 = arith.shli %mul3A_777, %shift_left3A_806 : vector<16xi32>
      %lt3A_808 = arith.cmpi ult, %shift_left3A_807, %convert_element_type3A_164 : vector<16xi32>
      %broadcast_in_dim3A_809 = vector.broadcast %scan3A_101 : f32 to vector<16xf32>
      %broadcast_in_dim3A_810 = vector.broadcast %scan3A_102 : f32 to vector<16xf32>
      %select_n3A_811 = arith.select %lt3A_808, %broadcast_in_dim3A_809, %broadcast_in_dim3A_810 : vector<16xi1>, vector<16xf32>
      %shift_left3A_812 = vector.broadcast %scan3A_103 : i32 to vector<16xi32>
      %shift_left3A_813 = arith.shli %mul3A_780, %shift_left3A_812 : vector<16xi32>
      %lt3A_814 = arith.cmpi ult, %shift_left3A_813, %convert_element_type3A_172 : vector<16xi32>
      %broadcast_in_dim3A_815 = vector.broadcast %scan3A_101 : f32 to vector<16xf32>
      %broadcast_in_dim3A_816 = vector.broadcast %scan3A_102 : f32 to vector<16xf32>
      %select_n3A_817 = arith.select %lt3A_814, %broadcast_in_dim3A_815, %broadcast_in_dim3A_816 : vector<16xi1>, vector<16xf32>
      %shift_left3A_818 = vector.broadcast %scan3A_103 : i32 to vector<16xi32>
      %shift_left3A_819 = arith.shli %mul3A_783, %shift_left3A_818 : vector<16xi32>
      %lt3A_820 = arith.cmpi ult, %shift_left3A_819, %convert_element_type3A_180 : vector<16xi32>
      %broadcast_in_dim3A_821 = vector.broadcast %scan3A_101 : f32 to vector<16xf32>
      %broadcast_in_dim3A_822 = vector.broadcast %scan3A_102 : f32 to vector<16xf32>
      %select_n3A_823 = arith.select %lt3A_820, %broadcast_in_dim3A_821, %broadcast_in_dim3A_822 : vector<16xi1>, vector<16xf32>
      %mul3A_824 = vector.broadcast %scan3A_104 : f32 to vector<16xf32>
      %mul3A_825 = arith.mulf %select_n3A_686, %mul3A_824 : vector<16xf32>
      %sub3A_826 = arith.subf %select_n3A_787, %select_n3A_791 : vector<16xf32>
      %add3A_827 = arith.addf %mul3A_825, %sub3A_826 : vector<16xf32>
      %ge3A_828 = vector.broadcast %scan3A_105 : f32 to vector<16xf32>
      %ge3A_829 = arith.cmpf oge, %add3A_827, %ge3A_828 : vector<16xf32>
      %broadcast_in_dim3A_830 = vector.broadcast %scan3A_105 : f32 to vector<16xf32>
      %broadcast_in_dim3A_831 = vector.broadcast %scan3A_102 : f32 to vector<16xf32>
      %select_n3A_832 = arith.select %ge3A_829, %broadcast_in_dim3A_830, %broadcast_in_dim3A_831 : vector<16xi1>, vector<16xf32>
      %broadcast_in_dim3A_833 = vector.broadcast %scan3A_102 : f32 to vector<16xf32>
      %select_n3A_834 = arith.select %ge3A_829, %broadcast_in_dim3A_833, %add3A_827 : vector<16xi1>, vector<16xf32>
      %mul3A_835 = vector.broadcast %scan3A_104 : f32 to vector<16xf32>
      %mul3A_836 = arith.mulf %select_n3A_697, %mul3A_835 : vector<16xf32>
      %sub3A_837 = arith.subf %select_n3A_791, %select_n3A_795 : vector<16xf32>
      %add3A_838 = arith.addf %mul3A_836, %sub3A_837 : vector<16xf32>
      %ge3A_839 = vector.broadcast %scan3A_105 : f32 to vector<16xf32>
      %ge3A_840 = arith.cmpf oge, %add3A_838, %ge3A_839 : vector<16xf32>
      %broadcast_in_dim3A_841 = vector.broadcast %scan3A_105 : f32 to vector<16xf32>
      %broadcast_in_dim3A_842 = vector.broadcast %scan3A_102 : f32 to vector<16xf32>
      %select_n3A_843 = arith.select %ge3A_840, %broadcast_in_dim3A_841, %broadcast_in_dim3A_842 : vector<16xi1>, vector<16xf32>
      %broadcast_in_dim3A_844 = vector.broadcast %scan3A_102 : f32 to vector<16xf32>
      %select_n3A_845 = arith.select %ge3A_840, %broadcast_in_dim3A_844, %add3A_838 : vector<16xi1>, vector<16xf32>
      %mul3A_846 = vector.broadcast %scan3A_104 : f32 to vector<16xf32>
      %mul3A_847 = arith.mulf %select_n3A_708, %mul3A_846 : vector<16xf32>
      %sub3A_848 = arith.subf %select_n3A_795, %select_n3A_799 : vector<16xf32>
      %add3A_849 = arith.addf %mul3A_847, %sub3A_848 : vector<16xf32>
      %ge3A_850 = vector.broadcast %scan3A_105 : f32 to vector<16xf32>
      %ge3A_851 = arith.cmpf oge, %add3A_849, %ge3A_850 : vector<16xf32>
      %broadcast_in_dim3A_852 = vector.broadcast %scan3A_105 : f32 to vector<16xf32>
      %broadcast_in_dim3A_853 = vector.broadcast %scan3A_102 : f32 to vector<16xf32>
      %select_n3A_854 = arith.select %ge3A_851, %broadcast_in_dim3A_852, %broadcast_in_dim3A_853 : vector<16xi1>, vector<16xf32>
      %broadcast_in_dim3A_855 = vector.broadcast %scan3A_102 : f32 to vector<16xf32>
      %select_n3A_856 = arith.select %ge3A_851, %broadcast_in_dim3A_855, %add3A_849 : vector<16xi1>, vector<16xf32>
      %mul3A_857 = vector.broadcast %scan3A_104 : f32 to vector<16xf32>
      %mul3A_858 = arith.mulf %select_n3A_719, %mul3A_857 : vector<16xf32>
      %sub3A_859 = arith.subf %select_n3A_799, %select_n3A_805 : vector<16xf32>
      %add3A_860 = arith.addf %mul3A_858, %sub3A_859 : vector<16xf32>
      %ge3A_861 = vector.broadcast %scan3A_105 : f32 to vector<16xf32>
      %ge3A_862 = arith.cmpf oge, %add3A_860, %ge3A_861 : vector<16xf32>
      %broadcast_in_dim3A_863 = vector.broadcast %scan3A_105 : f32 to vector<16xf32>
      %broadcast_in_dim3A_864 = vector.broadcast %scan3A_102 : f32 to vector<16xf32>
      %select_n3A_865 = arith.select %ge3A_862, %broadcast_in_dim3A_863, %broadcast_in_dim3A_864 : vector<16xi1>, vector<16xf32>
      %broadcast_in_dim3A_866 = vector.broadcast %scan3A_102 : f32 to vector<16xf32>
      %select_n3A_867 = arith.select %ge3A_862, %broadcast_in_dim3A_866, %add3A_860 : vector<16xi1>, vector<16xf32>
      %mul3A_868 = vector.broadcast %scan3A_104 : f32 to vector<16xf32>
      %mul3A_869 = arith.mulf %select_n3A_730, %mul3A_868 : vector<16xf32>
      %sub3A_870 = arith.subf %select_n3A_805, %select_n3A_811 : vector<16xf32>
      %add3A_871 = arith.addf %mul3A_869, %sub3A_870 : vector<16xf32>
      %ge3A_872 = vector.broadcast %scan3A_105 : f32 to vector<16xf32>
      %ge3A_873 = arith.cmpf oge, %add3A_871, %ge3A_872 : vector<16xf32>
      %broadcast_in_dim3A_874 = vector.broadcast %scan3A_105 : f32 to vector<16xf32>
      %broadcast_in_dim3A_875 = vector.broadcast %scan3A_102 : f32 to vector<16xf32>
      %select_n3A_876 = arith.select %ge3A_873, %broadcast_in_dim3A_874, %broadcast_in_dim3A_875 : vector<16xi1>, vector<16xf32>
      %broadcast_in_dim3A_877 = vector.broadcast %scan3A_102 : f32 to vector<16xf32>
      %select_n3A_878 = arith.select %ge3A_873, %broadcast_in_dim3A_877, %add3A_871 : vector<16xi1>, vector<16xf32>
      %mul3A_879 = vector.broadcast %scan3A_104 : f32 to vector<16xf32>
      %mul3A_880 = arith.mulf %select_n3A_741, %mul3A_879 : vector<16xf32>
      %sub3A_881 = arith.subf %select_n3A_811, %select_n3A_817 : vector<16xf32>
      %add3A_882 = arith.addf %mul3A_880, %sub3A_881 : vector<16xf32>
      %ge3A_883 = vector.broadcast %scan3A_105 : f32 to vector<16xf32>
      %ge3A_884 = arith.cmpf oge, %add3A_882, %ge3A_883 : vector<16xf32>
      %broadcast_in_dim3A_885 = vector.broadcast %scan3A_105 : f32 to vector<16xf32>
      %broadcast_in_dim3A_886 = vector.broadcast %scan3A_102 : f32 to vector<16xf32>
      %select_n3A_887 = arith.select %ge3A_884, %broadcast_in_dim3A_885, %broadcast_in_dim3A_886 : vector<16xi1>, vector<16xf32>
      %broadcast_in_dim3A_888 = vector.broadcast %scan3A_102 : f32 to vector<16xf32>
      %select_n3A_889 = arith.select %ge3A_884, %broadcast_in_dim3A_888, %add3A_882 : vector<16xi1>, vector<16xf32>
      %sub3A_890 = arith.subf %select_n3A_832, %select_n3A_843 : vector<16xf32>
      %add3A_891 = arith.addf %sub3A_890, %select_n3A_854 : vector<16xf32>
      %sub3A_892 = arith.subf %add3A_891, %select_n3A_865 : vector<16xf32>
      %add3A_893 = arith.addf %sub3A_892, %select_n3A_876 : vector<16xf32>
      %sub3A_894 = arith.subf %add3A_893, %select_n3A_887 : vector<16xf32>
      %mul3A_895 = vector.broadcast %scan3A_101 : f32 to vector<16xf32>
      %mul3A_896 = arith.mulf %sub3A_894, %mul3A_895 : vector<16xf32>
      %neg3A_897 = arith.constant 0.000000e+00 : f32
      %neg3A_898 = vector.broadcast %neg3A_897 : f32 to vector<16xf32>
      %neg3A_899 = arith.subf %neg3A_898, %mul3A_896 : vector<16xf32>
      %mul3A_900 = vector.broadcast %scan3A_104 : f32 to vector<16xf32>
      %mul3A_901 = arith.mulf %select_n3A_758, %mul3A_900 : vector<16xf32>
      %add3A_902 = arith.addf %mul3A_901, %mul3A_896 : vector<16xf32>
      %ge3A_903 = vector.broadcast %scan3A_105 : f32 to vector<16xf32>
      %ge3A_904 = arith.cmpf oge, %add3A_902, %ge3A_903 : vector<16xf32>
      %broadcast_in_dim3A_905 = vector.broadcast %scan3A_102 : f32 to vector<16xf32>
      %select_n3A_906 = arith.select %ge3A_904, %broadcast_in_dim3A_905, %add3A_902 : vector<16xi1>, vector<16xf32>
      %add3A_907 = vector.broadcast %scan3A_105 : f32 to vector<16xf32>
      %add3A_908 = arith.addf %select_n3A_761, %add3A_907 : vector<16xf32>
      %select_n3A_909 = arith.select %ge3A_904, %add3A_908, %select_n3A_761 : vector<16xi1>, vector<16xf32>
      %mul3A_910 = vector.broadcast %scan3A_104 : f32 to vector<16xf32>
      %mul3A_911 = arith.mulf %select_n3A_768, %mul3A_910 : vector<16xf32>
      %add3A_912 = arith.addf %mul3A_911, %neg3A_899 : vector<16xf32>
      %ge3A_913 = vector.broadcast %scan3A_105 : f32 to vector<16xf32>
      %ge3A_914 = arith.cmpf oge, %add3A_912, %ge3A_913 : vector<16xf32>
      %broadcast_in_dim3A_915 = vector.broadcast %scan3A_102 : f32 to vector<16xf32>
      %select_n3A_916 = arith.select %ge3A_914, %broadcast_in_dim3A_915, %add3A_912 : vector<16xi1>, vector<16xf32>
      %add3A_917 = vector.broadcast %scan3A_105 : f32 to vector<16xf32>
      %add3A_918 = arith.addf %select_n3A_771, %add3A_917 : vector<16xf32>
      %select_n3A_919 = arith.select %ge3A_914, %add3A_918, %select_n3A_771 : vector<16xi1>, vector<16xf32>
      %mul3A_920 = arith.constant -1814600227 : i32
      %mul3A_921 = vector.broadcast %mul3A_920 : i32 to vector<16xi32>
      %mul3A_922 = arith.muli %mul3A_774, %mul3A_921 : vector<16xi32>
      %mul3A_923 = arith.constant -1814600227 : i32
      %mul3A_924 = vector.broadcast %mul3A_923 : i32 to vector<16xi32>
      %mul3A_925 = arith.muli %mul3A_777, %mul3A_924 : vector<16xi32>
      %mul3A_926 = arith.constant -1814600227 : i32
      %mul3A_927 = vector.broadcast %mul3A_926 : i32 to vector<16xi32>
      %mul3A_928 = arith.muli %mul3A_780, %mul3A_927 : vector<16xi32>
      %mul3A_929 = arith.constant -1814600227 : i32
      %mul3A_930 = vector.broadcast %mul3A_929 : i32 to vector<16xi32>
      %mul3A_931 = arith.muli %mul3A_783, %mul3A_930 : vector<16xi32>
      %lt3A_932 = arith.cmpi ult, %mul3A_922, %convert_element_type3A : vector<16xi32>
      %broadcast_in_dim3A_933 = vector.broadcast %scan3A_101 : f32 to vector<16xf32>
      %broadcast_in_dim3A_934 = vector.broadcast %scan3A_102 : f32 to vector<16xf32>
      %select_n3A_935 = arith.select %lt3A_932, %broadcast_in_dim3A_933, %broadcast_in_dim3A_934 : vector<16xi1>, vector<16xf32>
      %lt3A_936 = arith.cmpi ult, %mul3A_925, %convert_element_type3A_132 : vector<16xi32>
      %broadcast_in_dim3A_937 = vector.broadcast %scan3A_101 : f32 to vector<16xf32>
      %broadcast_in_dim3A_938 = vector.broadcast %scan3A_102 : f32 to vector<16xf32>
      %select_n3A_939 = arith.select %lt3A_936, %broadcast_in_dim3A_937, %broadcast_in_dim3A_938 : vector<16xi1>, vector<16xf32>
      %lt3A_940 = arith.cmpi ult, %mul3A_928, %convert_element_type3A_140 : vector<16xi32>
      %broadcast_in_dim3A_941 = vector.broadcast %scan3A_101 : f32 to vector<16xf32>
      %broadcast_in_dim3A_942 = vector.broadcast %scan3A_102 : f32 to vector<16xf32>
      %select_n3A_943 = arith.select %lt3A_940, %broadcast_in_dim3A_941, %broadcast_in_dim3A_942 : vector<16xi1>, vector<16xf32>
      %lt3A_944 = arith.cmpi ult, %mul3A_931, %convert_element_type3A_148 : vector<16xi32>
      %broadcast_in_dim3A_945 = vector.broadcast %scan3A_101 : f32 to vector<16xf32>
      %broadcast_in_dim3A_946 = vector.broadcast %scan3A_102 : f32 to vector<16xf32>
      %select_n3A_947 = arith.select %lt3A_944, %broadcast_in_dim3A_945, %broadcast_in_dim3A_946 : vector<16xi1>, vector<16xf32>
      %shift_left3A_948 = vector.broadcast %scan3A_103 : i32 to vector<16xi32>
      %shift_left3A_949 = arith.shli %mul3A_922, %shift_left3A_948 : vector<16xi32>
      %lt3A_950 = arith.cmpi ult, %shift_left3A_949, %convert_element_type3A_156 : vector<16xi32>
      %broadcast_in_dim3A_951 = vector.broadcast %scan3A_101 : f32 to vector<16xf32>
      %broadcast_in_dim3A_952 = vector.broadcast %scan3A_102 : f32 to vector<16xf32>
      %select_n3A_953 = arith.select %lt3A_950, %broadcast_in_dim3A_951, %broadcast_in_dim3A_952 : vector<16xi1>, vector<16xf32>
      %shift_left3A_954 = vector.broadcast %scan3A_103 : i32 to vector<16xi32>
      %shift_left3A_955 = arith.shli %mul3A_925, %shift_left3A_954 : vector<16xi32>
      %lt3A_956 = arith.cmpi ult, %shift_left3A_955, %convert_element_type3A_164 : vector<16xi32>
      %broadcast_in_dim3A_957 = vector.broadcast %scan3A_101 : f32 to vector<16xf32>
      %broadcast_in_dim3A_958 = vector.broadcast %scan3A_102 : f32 to vector<16xf32>
      %select_n3A_959 = arith.select %lt3A_956, %broadcast_in_dim3A_957, %broadcast_in_dim3A_958 : vector<16xi1>, vector<16xf32>
      %shift_left3A_960 = vector.broadcast %scan3A_103 : i32 to vector<16xi32>
      %shift_left3A_961 = arith.shli %mul3A_928, %shift_left3A_960 : vector<16xi32>
      %lt3A_962 = arith.cmpi ult, %shift_left3A_961, %convert_element_type3A_172 : vector<16xi32>
      %broadcast_in_dim3A_963 = vector.broadcast %scan3A_101 : f32 to vector<16xf32>
      %broadcast_in_dim3A_964 = vector.broadcast %scan3A_102 : f32 to vector<16xf32>
      %select_n3A_965 = arith.select %lt3A_962, %broadcast_in_dim3A_963, %broadcast_in_dim3A_964 : vector<16xi1>, vector<16xf32>
      %shift_left3A_966 = vector.broadcast %scan3A_103 : i32 to vector<16xi32>
      %shift_left3A_967 = arith.shli %mul3A_931, %shift_left3A_966 : vector<16xi32>
      %lt3A_968 = arith.cmpi ult, %shift_left3A_967, %convert_element_type3A_180 : vector<16xi32>
      %broadcast_in_dim3A_969 = vector.broadcast %scan3A_101 : f32 to vector<16xf32>
      %broadcast_in_dim3A_970 = vector.broadcast %scan3A_102 : f32 to vector<16xf32>
      %select_n3A_971 = arith.select %lt3A_968, %broadcast_in_dim3A_969, %broadcast_in_dim3A_970 : vector<16xi1>, vector<16xf32>
      %mul3A_972 = vector.broadcast %scan3A_104 : f32 to vector<16xf32>
      %mul3A_973 = arith.mulf %select_n3A_834, %mul3A_972 : vector<16xf32>
      %sub3A_974 = arith.subf %select_n3A_935, %select_n3A_939 : vector<16xf32>
      %add3A_975 = arith.addf %mul3A_973, %sub3A_974 : vector<16xf32>
      %ge3A_976 = vector.broadcast %scan3A_105 : f32 to vector<16xf32>
      %ge3A_977 = arith.cmpf oge, %add3A_975, %ge3A_976 : vector<16xf32>
      %broadcast_in_dim3A_978 = vector.broadcast %scan3A_105 : f32 to vector<16xf32>
      %broadcast_in_dim3A_979 = vector.broadcast %scan3A_102 : f32 to vector<16xf32>
      %select_n3A_980 = arith.select %ge3A_977, %broadcast_in_dim3A_978, %broadcast_in_dim3A_979 : vector<16xi1>, vector<16xf32>
      %broadcast_in_dim3A_981 = vector.broadcast %scan3A_102 : f32 to vector<16xf32>
      %select_n3A_982 = arith.select %ge3A_977, %broadcast_in_dim3A_981, %add3A_975 : vector<16xi1>, vector<16xf32>
      %mul3A_983 = vector.broadcast %scan3A_104 : f32 to vector<16xf32>
      %mul3A_984 = arith.mulf %select_n3A_845, %mul3A_983 : vector<16xf32>
      %sub3A_985 = arith.subf %select_n3A_939, %select_n3A_943 : vector<16xf32>
      %add3A_986 = arith.addf %mul3A_984, %sub3A_985 : vector<16xf32>
      %ge3A_987 = vector.broadcast %scan3A_105 : f32 to vector<16xf32>
      %ge3A_988 = arith.cmpf oge, %add3A_986, %ge3A_987 : vector<16xf32>
      %broadcast_in_dim3A_989 = vector.broadcast %scan3A_105 : f32 to vector<16xf32>
      %broadcast_in_dim3A_990 = vector.broadcast %scan3A_102 : f32 to vector<16xf32>
      %select_n3A_991 = arith.select %ge3A_988, %broadcast_in_dim3A_989, %broadcast_in_dim3A_990 : vector<16xi1>, vector<16xf32>
      %broadcast_in_dim3A_992 = vector.broadcast %scan3A_102 : f32 to vector<16xf32>
      %select_n3A_993 = arith.select %ge3A_988, %broadcast_in_dim3A_992, %add3A_986 : vector<16xi1>, vector<16xf32>
      %mul3A_994 = vector.broadcast %scan3A_104 : f32 to vector<16xf32>
      %mul3A_995 = arith.mulf %select_n3A_856, %mul3A_994 : vector<16xf32>
      %sub3A_996 = arith.subf %select_n3A_943, %select_n3A_947 : vector<16xf32>
      %add3A_997 = arith.addf %mul3A_995, %sub3A_996 : vector<16xf32>
      %ge3A_998 = vector.broadcast %scan3A_105 : f32 to vector<16xf32>
      %ge3A_999 = arith.cmpf oge, %add3A_997, %ge3A_998 : vector<16xf32>
      %broadcast_in_dim3A_1000 = vector.broadcast %scan3A_105 : f32 to vector<16xf32>
      %broadcast_in_dim3A_1001 = vector.broadcast %scan3A_102 : f32 to vector<16xf32>
      %select_n3A_1002 = arith.select %ge3A_999, %broadcast_in_dim3A_1000, %broadcast_in_dim3A_1001 : vector<16xi1>, vector<16xf32>
      %broadcast_in_dim3A_1003 = vector.broadcast %scan3A_102 : f32 to vector<16xf32>
      %select_n3A_1004 = arith.select %ge3A_999, %broadcast_in_dim3A_1003, %add3A_997 : vector<16xi1>, vector<16xf32>
      %mul3A_1005 = vector.broadcast %scan3A_104 : f32 to vector<16xf32>
      %mul3A_1006 = arith.mulf %select_n3A_867, %mul3A_1005 : vector<16xf32>
      %sub3A_1007 = arith.subf %select_n3A_947, %select_n3A_953 : vector<16xf32>
      %add3A_1008 = arith.addf %mul3A_1006, %sub3A_1007 : vector<16xf32>
      %ge3A_1009 = vector.broadcast %scan3A_105 : f32 to vector<16xf32>
      %ge3A_1010 = arith.cmpf oge, %add3A_1008, %ge3A_1009 : vector<16xf32>
      %broadcast_in_dim3A_1011 = vector.broadcast %scan3A_105 : f32 to vector<16xf32>
      %broadcast_in_dim3A_1012 = vector.broadcast %scan3A_102 : f32 to vector<16xf32>
      %select_n3A_1013 = arith.select %ge3A_1010, %broadcast_in_dim3A_1011, %broadcast_in_dim3A_1012 : vector<16xi1>, vector<16xf32>
      %broadcast_in_dim3A_1014 = vector.broadcast %scan3A_102 : f32 to vector<16xf32>
      %select_n3A_1015 = arith.select %ge3A_1010, %broadcast_in_dim3A_1014, %add3A_1008 : vector<16xi1>, vector<16xf32>
      %mul3A_1016 = vector.broadcast %scan3A_104 : f32 to vector<16xf32>
      %mul3A_1017 = arith.mulf %select_n3A_878, %mul3A_1016 : vector<16xf32>
      %sub3A_1018 = arith.subf %select_n3A_953, %select_n3A_959 : vector<16xf32>
      %add3A_1019 = arith.addf %mul3A_1017, %sub3A_1018 : vector<16xf32>
      %ge3A_1020 = vector.broadcast %scan3A_105 : f32 to vector<16xf32>
      %ge3A_1021 = arith.cmpf oge, %add3A_1019, %ge3A_1020 : vector<16xf32>
      %broadcast_in_dim3A_1022 = vector.broadcast %scan3A_105 : f32 to vector<16xf32>
      %broadcast_in_dim3A_1023 = vector.broadcast %scan3A_102 : f32 to vector<16xf32>
      %select_n3A_1024 = arith.select %ge3A_1021, %broadcast_in_dim3A_1022, %broadcast_in_dim3A_1023 : vector<16xi1>, vector<16xf32>
      %broadcast_in_dim3A_1025 = vector.broadcast %scan3A_102 : f32 to vector<16xf32>
      %select_n3A_1026 = arith.select %ge3A_1021, %broadcast_in_dim3A_1025, %add3A_1019 : vector<16xi1>, vector<16xf32>
      %mul3A_1027 = vector.broadcast %scan3A_104 : f32 to vector<16xf32>
      %mul3A_1028 = arith.mulf %select_n3A_889, %mul3A_1027 : vector<16xf32>
      %sub3A_1029 = arith.subf %select_n3A_959, %select_n3A_965 : vector<16xf32>
      %add3A_1030 = arith.addf %mul3A_1028, %sub3A_1029 : vector<16xf32>
      %ge3A_1031 = vector.broadcast %scan3A_105 : f32 to vector<16xf32>
      %ge3A_1032 = arith.cmpf oge, %add3A_1030, %ge3A_1031 : vector<16xf32>
      %broadcast_in_dim3A_1033 = vector.broadcast %scan3A_105 : f32 to vector<16xf32>
      %broadcast_in_dim3A_1034 = vector.broadcast %scan3A_102 : f32 to vector<16xf32>
      %select_n3A_1035 = arith.select %ge3A_1032, %broadcast_in_dim3A_1033, %broadcast_in_dim3A_1034 : vector<16xi1>, vector<16xf32>
      %broadcast_in_dim3A_1036 = vector.broadcast %scan3A_102 : f32 to vector<16xf32>
      %select_n3A_1037 = arith.select %ge3A_1032, %broadcast_in_dim3A_1036, %add3A_1030 : vector<16xi1>, vector<16xf32>
      %sub3A_1038 = arith.subf %select_n3A_980, %select_n3A_991 : vector<16xf32>
      %add3A_1039 = arith.addf %sub3A_1038, %select_n3A_1002 : vector<16xf32>
      %sub3A_1040 = arith.subf %add3A_1039, %select_n3A_1013 : vector<16xf32>
      %add3A_1041 = arith.addf %sub3A_1040, %select_n3A_1024 : vector<16xf32>
      %sub3A_1042 = arith.subf %add3A_1041, %select_n3A_1035 : vector<16xf32>
      %mul3A_1043 = vector.broadcast %scan3A_101 : f32 to vector<16xf32>
      %mul3A_1044 = arith.mulf %sub3A_1042, %mul3A_1043 : vector<16xf32>
      %neg3A_1045 = arith.constant 0.000000e+00 : f32
      %neg3A_1046 = vector.broadcast %neg3A_1045 : f32 to vector<16xf32>
      %neg3A_1047 = arith.subf %neg3A_1046, %mul3A_1044 : vector<16xf32>
      %mul3A_1048 = vector.broadcast %scan3A_104 : f32 to vector<16xf32>
      %mul3A_1049 = arith.mulf %select_n3A_906, %mul3A_1048 : vector<16xf32>
      %add3A_1050 = arith.addf %mul3A_1049, %mul3A_1044 : vector<16xf32>
      %ge3A_1051 = vector.broadcast %scan3A_105 : f32 to vector<16xf32>
      %ge3A_1052 = arith.cmpf oge, %add3A_1050, %ge3A_1051 : vector<16xf32>
      %broadcast_in_dim3A_1053 = vector.broadcast %scan3A_102 : f32 to vector<16xf32>
      %select_n3A_1054 = arith.select %ge3A_1052, %broadcast_in_dim3A_1053, %add3A_1050 : vector<16xi1>, vector<16xf32>
      %add3A_1055 = vector.broadcast %scan3A_105 : f32 to vector<16xf32>
      %add3A_1056 = arith.addf %select_n3A_909, %add3A_1055 : vector<16xf32>
      %select_n3A_1057 = arith.select %ge3A_1052, %add3A_1056, %select_n3A_909 : vector<16xi1>, vector<16xf32>
      %mul3A_1058 = vector.broadcast %scan3A_104 : f32 to vector<16xf32>
      %mul3A_1059 = arith.mulf %select_n3A_916, %mul3A_1058 : vector<16xf32>
      %add3A_1060 = arith.addf %mul3A_1059, %neg3A_1047 : vector<16xf32>
      %ge3A_1061 = vector.broadcast %scan3A_105 : f32 to vector<16xf32>
      %ge3A_1062 = arith.cmpf oge, %add3A_1060, %ge3A_1061 : vector<16xf32>
      %broadcast_in_dim3A_1063 = vector.broadcast %scan3A_102 : f32 to vector<16xf32>
      %select_n3A_1064 = arith.select %ge3A_1062, %broadcast_in_dim3A_1063, %add3A_1060 : vector<16xi1>, vector<16xf32>
      %add3A_1065 = vector.broadcast %scan3A_105 : f32 to vector<16xf32>
      %add3A_1066 = arith.addf %select_n3A_919, %add3A_1065 : vector<16xf32>
      %select_n3A_1067 = arith.select %ge3A_1062, %add3A_1066, %select_n3A_919 : vector<16xi1>, vector<16xf32>
      %mul3A_1068 = arith.constant -1814600227 : i32
      %mul3A_1069 = vector.broadcast %mul3A_1068 : i32 to vector<16xi32>
      %mul3A_1070 = arith.muli %mul3A_922, %mul3A_1069 : vector<16xi32>
      %mul3A_1071 = arith.constant -1814600227 : i32
      %mul3A_1072 = vector.broadcast %mul3A_1071 : i32 to vector<16xi32>
      %mul3A_1073 = arith.muli %mul3A_925, %mul3A_1072 : vector<16xi32>
      %mul3A_1074 = arith.constant -1814600227 : i32
      %mul3A_1075 = vector.broadcast %mul3A_1074 : i32 to vector<16xi32>
      %mul3A_1076 = arith.muli %mul3A_928, %mul3A_1075 : vector<16xi32>
      %mul3A_1077 = arith.constant -1814600227 : i32
      %mul3A_1078 = vector.broadcast %mul3A_1077 : i32 to vector<16xi32>
      %mul3A_1079 = arith.muli %mul3A_931, %mul3A_1078 : vector<16xi32>
      %lt3A_1080 = arith.cmpi ult, %mul3A_1070, %convert_element_type3A : vector<16xi32>
      %broadcast_in_dim3A_1081 = vector.broadcast %scan3A_101 : f32 to vector<16xf32>
      %broadcast_in_dim3A_1082 = vector.broadcast %scan3A_102 : f32 to vector<16xf32>
      %select_n3A_1083 = arith.select %lt3A_1080, %broadcast_in_dim3A_1081, %broadcast_in_dim3A_1082 : vector<16xi1>, vector<16xf32>
      %lt3A_1084 = arith.cmpi ult, %mul3A_1073, %convert_element_type3A_132 : vector<16xi32>
      %broadcast_in_dim3A_1085 = vector.broadcast %scan3A_101 : f32 to vector<16xf32>
      %broadcast_in_dim3A_1086 = vector.broadcast %scan3A_102 : f32 to vector<16xf32>
      %select_n3A_1087 = arith.select %lt3A_1084, %broadcast_in_dim3A_1085, %broadcast_in_dim3A_1086 : vector<16xi1>, vector<16xf32>
      %lt3A_1088 = arith.cmpi ult, %mul3A_1076, %convert_element_type3A_140 : vector<16xi32>
      %broadcast_in_dim3A_1089 = vector.broadcast %scan3A_101 : f32 to vector<16xf32>
      %broadcast_in_dim3A_1090 = vector.broadcast %scan3A_102 : f32 to vector<16xf32>
      %select_n3A_1091 = arith.select %lt3A_1088, %broadcast_in_dim3A_1089, %broadcast_in_dim3A_1090 : vector<16xi1>, vector<16xf32>
      %lt3A_1092 = arith.cmpi ult, %mul3A_1079, %convert_element_type3A_148 : vector<16xi32>
      %broadcast_in_dim3A_1093 = vector.broadcast %scan3A_101 : f32 to vector<16xf32>
      %broadcast_in_dim3A_1094 = vector.broadcast %scan3A_102 : f32 to vector<16xf32>
      %select_n3A_1095 = arith.select %lt3A_1092, %broadcast_in_dim3A_1093, %broadcast_in_dim3A_1094 : vector<16xi1>, vector<16xf32>
      %shift_left3A_1096 = vector.broadcast %scan3A_103 : i32 to vector<16xi32>
      %shift_left3A_1097 = arith.shli %mul3A_1070, %shift_left3A_1096 : vector<16xi32>
      %lt3A_1098 = arith.cmpi ult, %shift_left3A_1097, %convert_element_type3A_156 : vector<16xi32>
      %broadcast_in_dim3A_1099 = vector.broadcast %scan3A_101 : f32 to vector<16xf32>
      %broadcast_in_dim3A_1100 = vector.broadcast %scan3A_102 : f32 to vector<16xf32>
      %select_n3A_1101 = arith.select %lt3A_1098, %broadcast_in_dim3A_1099, %broadcast_in_dim3A_1100 : vector<16xi1>, vector<16xf32>
      %shift_left3A_1102 = vector.broadcast %scan3A_103 : i32 to vector<16xi32>
      %shift_left3A_1103 = arith.shli %mul3A_1073, %shift_left3A_1102 : vector<16xi32>
      %lt3A_1104 = arith.cmpi ult, %shift_left3A_1103, %convert_element_type3A_164 : vector<16xi32>
      %broadcast_in_dim3A_1105 = vector.broadcast %scan3A_101 : f32 to vector<16xf32>
      %broadcast_in_dim3A_1106 = vector.broadcast %scan3A_102 : f32 to vector<16xf32>
      %select_n3A_1107 = arith.select %lt3A_1104, %broadcast_in_dim3A_1105, %broadcast_in_dim3A_1106 : vector<16xi1>, vector<16xf32>
      %shift_left3A_1108 = vector.broadcast %scan3A_103 : i32 to vector<16xi32>
      %shift_left3A_1109 = arith.shli %mul3A_1076, %shift_left3A_1108 : vector<16xi32>
      %lt3A_1110 = arith.cmpi ult, %shift_left3A_1109, %convert_element_type3A_172 : vector<16xi32>
      %broadcast_in_dim3A_1111 = vector.broadcast %scan3A_101 : f32 to vector<16xf32>
      %broadcast_in_dim3A_1112 = vector.broadcast %scan3A_102 : f32 to vector<16xf32>
      %select_n3A_1113 = arith.select %lt3A_1110, %broadcast_in_dim3A_1111, %broadcast_in_dim3A_1112 : vector<16xi1>, vector<16xf32>
      %shift_left3A_1114 = vector.broadcast %scan3A_103 : i32 to vector<16xi32>
      %shift_left3A_1115 = arith.shli %mul3A_1079, %shift_left3A_1114 : vector<16xi32>
      %lt3A_1116 = arith.cmpi ult, %shift_left3A_1115, %convert_element_type3A_180 : vector<16xi32>
      %broadcast_in_dim3A_1117 = vector.broadcast %scan3A_101 : f32 to vector<16xf32>
      %broadcast_in_dim3A_1118 = vector.broadcast %scan3A_102 : f32 to vector<16xf32>
      %select_n3A_1119 = arith.select %lt3A_1116, %broadcast_in_dim3A_1117, %broadcast_in_dim3A_1118 : vector<16xi1>, vector<16xf32>
      %mul3A_1120 = vector.broadcast %scan3A_104 : f32 to vector<16xf32>
      %mul3A_1121 = arith.mulf %select_n3A_982, %mul3A_1120 : vector<16xf32>
      %sub3A_1122 = arith.subf %select_n3A_1083, %select_n3A_1087 : vector<16xf32>
      %add3A_1123 = arith.addf %mul3A_1121, %sub3A_1122 : vector<16xf32>
      %ge3A_1124 = vector.broadcast %scan3A_105 : f32 to vector<16xf32>
      %ge3A_1125 = arith.cmpf oge, %add3A_1123, %ge3A_1124 : vector<16xf32>
      %broadcast_in_dim3A_1126 = vector.broadcast %scan3A_105 : f32 to vector<16xf32>
      %broadcast_in_dim3A_1127 = vector.broadcast %scan3A_102 : f32 to vector<16xf32>
      %select_n3A_1128 = arith.select %ge3A_1125, %broadcast_in_dim3A_1126, %broadcast_in_dim3A_1127 : vector<16xi1>, vector<16xf32>
      %broadcast_in_dim3A_1129 = vector.broadcast %scan3A_102 : f32 to vector<16xf32>
      %select_n3A_1130 = arith.select %ge3A_1125, %broadcast_in_dim3A_1129, %add3A_1123 : vector<16xi1>, vector<16xf32>
      %mul3A_1131 = vector.broadcast %scan3A_104 : f32 to vector<16xf32>
      %mul3A_1132 = arith.mulf %select_n3A_993, %mul3A_1131 : vector<16xf32>
      %sub3A_1133 = arith.subf %select_n3A_1087, %select_n3A_1091 : vector<16xf32>
      %add3A_1134 = arith.addf %mul3A_1132, %sub3A_1133 : vector<16xf32>
      %ge3A_1135 = vector.broadcast %scan3A_105 : f32 to vector<16xf32>
      %ge3A_1136 = arith.cmpf oge, %add3A_1134, %ge3A_1135 : vector<16xf32>
      %broadcast_in_dim3A_1137 = vector.broadcast %scan3A_105 : f32 to vector<16xf32>
      %broadcast_in_dim3A_1138 = vector.broadcast %scan3A_102 : f32 to vector<16xf32>
      %select_n3A_1139 = arith.select %ge3A_1136, %broadcast_in_dim3A_1137, %broadcast_in_dim3A_1138 : vector<16xi1>, vector<16xf32>
      %broadcast_in_dim3A_1140 = vector.broadcast %scan3A_102 : f32 to vector<16xf32>
      %select_n3A_1141 = arith.select %ge3A_1136, %broadcast_in_dim3A_1140, %add3A_1134 : vector<16xi1>, vector<16xf32>
      %mul3A_1142 = vector.broadcast %scan3A_104 : f32 to vector<16xf32>
      %mul3A_1143 = arith.mulf %select_n3A_1004, %mul3A_1142 : vector<16xf32>
      %sub3A_1144 = arith.subf %select_n3A_1091, %select_n3A_1095 : vector<16xf32>
      %add3A_1145 = arith.addf %mul3A_1143, %sub3A_1144 : vector<16xf32>
      %ge3A_1146 = vector.broadcast %scan3A_105 : f32 to vector<16xf32>
      %ge3A_1147 = arith.cmpf oge, %add3A_1145, %ge3A_1146 : vector<16xf32>
      %broadcast_in_dim3A_1148 = vector.broadcast %scan3A_105 : f32 to vector<16xf32>
      %broadcast_in_dim3A_1149 = vector.broadcast %scan3A_102 : f32 to vector<16xf32>
      %select_n3A_1150 = arith.select %ge3A_1147, %broadcast_in_dim3A_1148, %broadcast_in_dim3A_1149 : vector<16xi1>, vector<16xf32>
      %broadcast_in_dim3A_1151 = vector.broadcast %scan3A_102 : f32 to vector<16xf32>
      %select_n3A_1152 = arith.select %ge3A_1147, %broadcast_in_dim3A_1151, %add3A_1145 : vector<16xi1>, vector<16xf32>
      %mul3A_1153 = vector.broadcast %scan3A_104 : f32 to vector<16xf32>
      %mul3A_1154 = arith.mulf %select_n3A_1015, %mul3A_1153 : vector<16xf32>
      %sub3A_1155 = arith.subf %select_n3A_1095, %select_n3A_1101 : vector<16xf32>
      %add3A_1156 = arith.addf %mul3A_1154, %sub3A_1155 : vector<16xf32>
      %ge3A_1157 = vector.broadcast %scan3A_105 : f32 to vector<16xf32>
      %ge3A_1158 = arith.cmpf oge, %add3A_1156, %ge3A_1157 : vector<16xf32>
      %broadcast_in_dim3A_1159 = vector.broadcast %scan3A_105 : f32 to vector<16xf32>
      %broadcast_in_dim3A_1160 = vector.broadcast %scan3A_102 : f32 to vector<16xf32>
      %select_n3A_1161 = arith.select %ge3A_1158, %broadcast_in_dim3A_1159, %broadcast_in_dim3A_1160 : vector<16xi1>, vector<16xf32>
      %broadcast_in_dim3A_1162 = vector.broadcast %scan3A_102 : f32 to vector<16xf32>
      %select_n3A_1163 = arith.select %ge3A_1158, %broadcast_in_dim3A_1162, %add3A_1156 : vector<16xi1>, vector<16xf32>
      %mul3A_1164 = vector.broadcast %scan3A_104 : f32 to vector<16xf32>
      %mul3A_1165 = arith.mulf %select_n3A_1026, %mul3A_1164 : vector<16xf32>
      %sub3A_1166 = arith.subf %select_n3A_1101, %select_n3A_1107 : vector<16xf32>
      %add3A_1167 = arith.addf %mul3A_1165, %sub3A_1166 : vector<16xf32>
      %ge3A_1168 = vector.broadcast %scan3A_105 : f32 to vector<16xf32>
      %ge3A_1169 = arith.cmpf oge, %add3A_1167, %ge3A_1168 : vector<16xf32>
      %broadcast_in_dim3A_1170 = vector.broadcast %scan3A_105 : f32 to vector<16xf32>
      %broadcast_in_dim3A_1171 = vector.broadcast %scan3A_102 : f32 to vector<16xf32>
      %select_n3A_1172 = arith.select %ge3A_1169, %broadcast_in_dim3A_1170, %broadcast_in_dim3A_1171 : vector<16xi1>, vector<16xf32>
      %broadcast_in_dim3A_1173 = vector.broadcast %scan3A_102 : f32 to vector<16xf32>
      %select_n3A_1174 = arith.select %ge3A_1169, %broadcast_in_dim3A_1173, %add3A_1167 : vector<16xi1>, vector<16xf32>
      %mul3A_1175 = vector.broadcast %scan3A_104 : f32 to vector<16xf32>
      %mul3A_1176 = arith.mulf %select_n3A_1037, %mul3A_1175 : vector<16xf32>
      %sub3A_1177 = arith.subf %select_n3A_1107, %select_n3A_1113 : vector<16xf32>
      %add3A_1178 = arith.addf %mul3A_1176, %sub3A_1177 : vector<16xf32>
      %ge3A_1179 = vector.broadcast %scan3A_105 : f32 to vector<16xf32>
      %ge3A_1180 = arith.cmpf oge, %add3A_1178, %ge3A_1179 : vector<16xf32>
      %broadcast_in_dim3A_1181 = vector.broadcast %scan3A_105 : f32 to vector<16xf32>
      %broadcast_in_dim3A_1182 = vector.broadcast %scan3A_102 : f32 to vector<16xf32>
      %select_n3A_1183 = arith.select %ge3A_1180, %broadcast_in_dim3A_1181, %broadcast_in_dim3A_1182 : vector<16xi1>, vector<16xf32>
      %broadcast_in_dim3A_1184 = vector.broadcast %scan3A_102 : f32 to vector<16xf32>
      %select_n3A_1185 = arith.select %ge3A_1180, %broadcast_in_dim3A_1184, %add3A_1178 : vector<16xi1>, vector<16xf32>
      %sub3A_1186 = arith.subf %select_n3A_1128, %select_n3A_1139 : vector<16xf32>
      %add3A_1187 = arith.addf %sub3A_1186, %select_n3A_1150 : vector<16xf32>
      %sub3A_1188 = arith.subf %add3A_1187, %select_n3A_1161 : vector<16xf32>
      %add3A_1189 = arith.addf %sub3A_1188, %select_n3A_1172 : vector<16xf32>
      %sub3A_1190 = arith.subf %add3A_1189, %select_n3A_1183 : vector<16xf32>
      %mul3A_1191 = vector.broadcast %scan3A_101 : f32 to vector<16xf32>
      %mul3A_1192 = arith.mulf %sub3A_1190, %mul3A_1191 : vector<16xf32>
      %neg3A_1193 = arith.constant 0.000000e+00 : f32
      %neg3A_1194 = vector.broadcast %neg3A_1193 : f32 to vector<16xf32>
      %neg3A_1195 = arith.subf %neg3A_1194, %mul3A_1192 : vector<16xf32>
      %mul3A_1196 = vector.broadcast %scan3A_104 : f32 to vector<16xf32>
      %mul3A_1197 = arith.mulf %select_n3A_1054, %mul3A_1196 : vector<16xf32>
      %add3A_1198 = arith.addf %mul3A_1197, %mul3A_1192 : vector<16xf32>
      %ge3A_1199 = vector.broadcast %scan3A_105 : f32 to vector<16xf32>
      %ge3A_1200 = arith.cmpf oge, %add3A_1198, %ge3A_1199 : vector<16xf32>
      %broadcast_in_dim3A_1201 = vector.broadcast %scan3A_102 : f32 to vector<16xf32>
      %select_n3A_1202 = arith.select %ge3A_1200, %broadcast_in_dim3A_1201, %add3A_1198 : vector<16xi1>, vector<16xf32>
      %add3A_1203 = vector.broadcast %scan3A_105 : f32 to vector<16xf32>
      %add3A_1204 = arith.addf %select_n3A_1057, %add3A_1203 : vector<16xf32>
      %select_n3A_1205 = arith.select %ge3A_1200, %add3A_1204, %select_n3A_1057 : vector<16xi1>, vector<16xf32>
      %mul3A_1206 = vector.broadcast %scan3A_104 : f32 to vector<16xf32>
      %mul3A_1207 = arith.mulf %select_n3A_1064, %mul3A_1206 : vector<16xf32>
      %add3A_1208 = arith.addf %mul3A_1207, %neg3A_1195 : vector<16xf32>
      %ge3A_1209 = vector.broadcast %scan3A_105 : f32 to vector<16xf32>
      %ge3A_1210 = arith.cmpf oge, %add3A_1208, %ge3A_1209 : vector<16xf32>
      %broadcast_in_dim3A_1211 = vector.broadcast %scan3A_102 : f32 to vector<16xf32>
      %select_n3A_1212 = arith.select %ge3A_1210, %broadcast_in_dim3A_1211, %add3A_1208 : vector<16xi1>, vector<16xf32>
      %add3A_1213 = vector.broadcast %scan3A_105 : f32 to vector<16xf32>
      %add3A_1214 = arith.addf %select_n3A_1067, %add3A_1213 : vector<16xf32>
      %select_n3A_1215 = arith.select %ge3A_1210, %add3A_1214, %select_n3A_1067 : vector<16xi1>, vector<16xf32>
      %mul3A_1216 = arith.constant -1814600227 : i32
      %mul3A_1217 = vector.broadcast %mul3A_1216 : i32 to vector<16xi32>
      %mul3A_1218 = arith.muli %mul3A_1070, %mul3A_1217 : vector<16xi32>
      %mul3A_1219 = arith.constant -1814600227 : i32
      %mul3A_1220 = vector.broadcast %mul3A_1219 : i32 to vector<16xi32>
      %mul3A_1221 = arith.muli %mul3A_1073, %mul3A_1220 : vector<16xi32>
      %mul3A_1222 = arith.constant -1814600227 : i32
      %mul3A_1223 = vector.broadcast %mul3A_1222 : i32 to vector<16xi32>
      %mul3A_1224 = arith.muli %mul3A_1076, %mul3A_1223 : vector<16xi32>
      %mul3A_1225 = arith.constant -1814600227 : i32
      %mul3A_1226 = vector.broadcast %mul3A_1225 : i32 to vector<16xi32>
      %mul3A_1227 = arith.muli %mul3A_1079, %mul3A_1226 : vector<16xi32>
      %lt3A_1228 = arith.cmpi ult, %mul3A_1218, %convert_element_type3A : vector<16xi32>
      %broadcast_in_dim3A_1229 = vector.broadcast %scan3A_101 : f32 to vector<16xf32>
      %broadcast_in_dim3A_1230 = vector.broadcast %scan3A_102 : f32 to vector<16xf32>
      %select_n3A_1231 = arith.select %lt3A_1228, %broadcast_in_dim3A_1229, %broadcast_in_dim3A_1230 : vector<16xi1>, vector<16xf32>
      %lt3A_1232 = arith.cmpi ult, %mul3A_1221, %convert_element_type3A_132 : vector<16xi32>
      %broadcast_in_dim3A_1233 = vector.broadcast %scan3A_101 : f32 to vector<16xf32>
      %broadcast_in_dim3A_1234 = vector.broadcast %scan3A_102 : f32 to vector<16xf32>
      %select_n3A_1235 = arith.select %lt3A_1232, %broadcast_in_dim3A_1233, %broadcast_in_dim3A_1234 : vector<16xi1>, vector<16xf32>
      %lt3A_1236 = arith.cmpi ult, %mul3A_1224, %convert_element_type3A_140 : vector<16xi32>
      %broadcast_in_dim3A_1237 = vector.broadcast %scan3A_101 : f32 to vector<16xf32>
      %broadcast_in_dim3A_1238 = vector.broadcast %scan3A_102 : f32 to vector<16xf32>
      %select_n3A_1239 = arith.select %lt3A_1236, %broadcast_in_dim3A_1237, %broadcast_in_dim3A_1238 : vector<16xi1>, vector<16xf32>
      %lt3A_1240 = arith.cmpi ult, %mul3A_1227, %convert_element_type3A_148 : vector<16xi32>
      %broadcast_in_dim3A_1241 = vector.broadcast %scan3A_101 : f32 to vector<16xf32>
      %broadcast_in_dim3A_1242 = vector.broadcast %scan3A_102 : f32 to vector<16xf32>
      %select_n3A_1243 = arith.select %lt3A_1240, %broadcast_in_dim3A_1241, %broadcast_in_dim3A_1242 : vector<16xi1>, vector<16xf32>
      %shift_left3A_1244 = vector.broadcast %scan3A_103 : i32 to vector<16xi32>
      %shift_left3A_1245 = arith.shli %mul3A_1218, %shift_left3A_1244 : vector<16xi32>
      %lt3A_1246 = arith.cmpi ult, %shift_left3A_1245, %convert_element_type3A_156 : vector<16xi32>
      %broadcast_in_dim3A_1247 = vector.broadcast %scan3A_101 : f32 to vector<16xf32>
      %broadcast_in_dim3A_1248 = vector.broadcast %scan3A_102 : f32 to vector<16xf32>
      %select_n3A_1249 = arith.select %lt3A_1246, %broadcast_in_dim3A_1247, %broadcast_in_dim3A_1248 : vector<16xi1>, vector<16xf32>
      %shift_left3A_1250 = vector.broadcast %scan3A_103 : i32 to vector<16xi32>
      %shift_left3A_1251 = arith.shli %mul3A_1221, %shift_left3A_1250 : vector<16xi32>
      %lt3A_1252 = arith.cmpi ult, %shift_left3A_1251, %convert_element_type3A_164 : vector<16xi32>
      %broadcast_in_dim3A_1253 = vector.broadcast %scan3A_101 : f32 to vector<16xf32>
      %broadcast_in_dim3A_1254 = vector.broadcast %scan3A_102 : f32 to vector<16xf32>
      %select_n3A_1255 = arith.select %lt3A_1252, %broadcast_in_dim3A_1253, %broadcast_in_dim3A_1254 : vector<16xi1>, vector<16xf32>
      %shift_left3A_1256 = vector.broadcast %scan3A_103 : i32 to vector<16xi32>
      %shift_left3A_1257 = arith.shli %mul3A_1224, %shift_left3A_1256 : vector<16xi32>
      %lt3A_1258 = arith.cmpi ult, %shift_left3A_1257, %convert_element_type3A_172 : vector<16xi32>
      %broadcast_in_dim3A_1259 = vector.broadcast %scan3A_101 : f32 to vector<16xf32>
      %broadcast_in_dim3A_1260 = vector.broadcast %scan3A_102 : f32 to vector<16xf32>
      %select_n3A_1261 = arith.select %lt3A_1258, %broadcast_in_dim3A_1259, %broadcast_in_dim3A_1260 : vector<16xi1>, vector<16xf32>
      %shift_left3A_1262 = vector.broadcast %scan3A_103 : i32 to vector<16xi32>
      %shift_left3A_1263 = arith.shli %mul3A_1227, %shift_left3A_1262 : vector<16xi32>
      %lt3A_1264 = arith.cmpi ult, %shift_left3A_1263, %convert_element_type3A_180 : vector<16xi32>
      %broadcast_in_dim3A_1265 = vector.broadcast %scan3A_101 : f32 to vector<16xf32>
      %broadcast_in_dim3A_1266 = vector.broadcast %scan3A_102 : f32 to vector<16xf32>
      %select_n3A_1267 = arith.select %lt3A_1264, %broadcast_in_dim3A_1265, %broadcast_in_dim3A_1266 : vector<16xi1>, vector<16xf32>
      %mul3A_1268 = vector.broadcast %scan3A_104 : f32 to vector<16xf32>
      %mul3A_1269 = arith.mulf %select_n3A_1130, %mul3A_1268 : vector<16xf32>
      %sub3A_1270 = arith.subf %select_n3A_1231, %select_n3A_1235 : vector<16xf32>
      %add3A_1271 = arith.addf %mul3A_1269, %sub3A_1270 : vector<16xf32>
      %ge3A_1272 = vector.broadcast %scan3A_105 : f32 to vector<16xf32>
      %ge3A_1273 = arith.cmpf oge, %add3A_1271, %ge3A_1272 : vector<16xf32>
      %broadcast_in_dim3A_1274 = vector.broadcast %scan3A_105 : f32 to vector<16xf32>
      %broadcast_in_dim3A_1275 = vector.broadcast %scan3A_102 : f32 to vector<16xf32>
      %select_n3A_1276 = arith.select %ge3A_1273, %broadcast_in_dim3A_1274, %broadcast_in_dim3A_1275 : vector<16xi1>, vector<16xf32>
      %broadcast_in_dim3A_1277 = vector.broadcast %scan3A_102 : f32 to vector<16xf32>
      %select_n3A_1278 = arith.select %ge3A_1273, %broadcast_in_dim3A_1277, %add3A_1271 : vector<16xi1>, vector<16xf32>
      %mul3A_1279 = vector.broadcast %scan3A_104 : f32 to vector<16xf32>
      %mul3A_1280 = arith.mulf %select_n3A_1141, %mul3A_1279 : vector<16xf32>
      %sub3A_1281 = arith.subf %select_n3A_1235, %select_n3A_1239 : vector<16xf32>
      %add3A_1282 = arith.addf %mul3A_1280, %sub3A_1281 : vector<16xf32>
      %ge3A_1283 = vector.broadcast %scan3A_105 : f32 to vector<16xf32>
      %ge3A_1284 = arith.cmpf oge, %add3A_1282, %ge3A_1283 : vector<16xf32>
      %broadcast_in_dim3A_1285 = vector.broadcast %scan3A_105 : f32 to vector<16xf32>
      %broadcast_in_dim3A_1286 = vector.broadcast %scan3A_102 : f32 to vector<16xf32>
      %select_n3A_1287 = arith.select %ge3A_1284, %broadcast_in_dim3A_1285, %broadcast_in_dim3A_1286 : vector<16xi1>, vector<16xf32>
      %broadcast_in_dim3A_1288 = vector.broadcast %scan3A_102 : f32 to vector<16xf32>
      %select_n3A_1289 = arith.select %ge3A_1284, %broadcast_in_dim3A_1288, %add3A_1282 : vector<16xi1>, vector<16xf32>
      %mul3A_1290 = vector.broadcast %scan3A_104 : f32 to vector<16xf32>
      %mul3A_1291 = arith.mulf %select_n3A_1152, %mul3A_1290 : vector<16xf32>
      %sub3A_1292 = arith.subf %select_n3A_1239, %select_n3A_1243 : vector<16xf32>
      %add3A_1293 = arith.addf %mul3A_1291, %sub3A_1292 : vector<16xf32>
      %ge3A_1294 = vector.broadcast %scan3A_105 : f32 to vector<16xf32>
      %ge3A_1295 = arith.cmpf oge, %add3A_1293, %ge3A_1294 : vector<16xf32>
      %broadcast_in_dim3A_1296 = vector.broadcast %scan3A_105 : f32 to vector<16xf32>
      %broadcast_in_dim3A_1297 = vector.broadcast %scan3A_102 : f32 to vector<16xf32>
      %select_n3A_1298 = arith.select %ge3A_1295, %broadcast_in_dim3A_1296, %broadcast_in_dim3A_1297 : vector<16xi1>, vector<16xf32>
      %broadcast_in_dim3A_1299 = vector.broadcast %scan3A_102 : f32 to vector<16xf32>
      %select_n3A_1300 = arith.select %ge3A_1295, %broadcast_in_dim3A_1299, %add3A_1293 : vector<16xi1>, vector<16xf32>
      %mul3A_1301 = vector.broadcast %scan3A_104 : f32 to vector<16xf32>
      %mul3A_1302 = arith.mulf %select_n3A_1163, %mul3A_1301 : vector<16xf32>
      %sub3A_1303 = arith.subf %select_n3A_1243, %select_n3A_1249 : vector<16xf32>
      %add3A_1304 = arith.addf %mul3A_1302, %sub3A_1303 : vector<16xf32>
      %ge3A_1305 = vector.broadcast %scan3A_105 : f32 to vector<16xf32>
      %ge3A_1306 = arith.cmpf oge, %add3A_1304, %ge3A_1305 : vector<16xf32>
      %broadcast_in_dim3A_1307 = vector.broadcast %scan3A_105 : f32 to vector<16xf32>
      %broadcast_in_dim3A_1308 = vector.broadcast %scan3A_102 : f32 to vector<16xf32>
      %select_n3A_1309 = arith.select %ge3A_1306, %broadcast_in_dim3A_1307, %broadcast_in_dim3A_1308 : vector<16xi1>, vector<16xf32>
      %broadcast_in_dim3A_1310 = vector.broadcast %scan3A_102 : f32 to vector<16xf32>
      %select_n3A_1311 = arith.select %ge3A_1306, %broadcast_in_dim3A_1310, %add3A_1304 : vector<16xi1>, vector<16xf32>
      %mul3A_1312 = vector.broadcast %scan3A_104 : f32 to vector<16xf32>
      %mul3A_1313 = arith.mulf %select_n3A_1174, %mul3A_1312 : vector<16xf32>
      %sub3A_1314 = arith.subf %select_n3A_1249, %select_n3A_1255 : vector<16xf32>
      %add3A_1315 = arith.addf %mul3A_1313, %sub3A_1314 : vector<16xf32>
      %ge3A_1316 = vector.broadcast %scan3A_105 : f32 to vector<16xf32>
      %ge3A_1317 = arith.cmpf oge, %add3A_1315, %ge3A_1316 : vector<16xf32>
      %broadcast_in_dim3A_1318 = vector.broadcast %scan3A_105 : f32 to vector<16xf32>
      %broadcast_in_dim3A_1319 = vector.broadcast %scan3A_102 : f32 to vector<16xf32>
      %select_n3A_1320 = arith.select %ge3A_1317, %broadcast_in_dim3A_1318, %broadcast_in_dim3A_1319 : vector<16xi1>, vector<16xf32>
      %broadcast_in_dim3A_1321 = vector.broadcast %scan3A_102 : f32 to vector<16xf32>
      %select_n3A_1322 = arith.select %ge3A_1317, %broadcast_in_dim3A_1321, %add3A_1315 : vector<16xi1>, vector<16xf32>
      %mul3A_1323 = vector.broadcast %scan3A_104 : f32 to vector<16xf32>
      %mul3A_1324 = arith.mulf %select_n3A_1185, %mul3A_1323 : vector<16xf32>
      %sub3A_1325 = arith.subf %select_n3A_1255, %select_n3A_1261 : vector<16xf32>
      %add3A_1326 = arith.addf %mul3A_1324, %sub3A_1325 : vector<16xf32>
      %ge3A_1327 = vector.broadcast %scan3A_105 : f32 to vector<16xf32>
      %ge3A_1328 = arith.cmpf oge, %add3A_1326, %ge3A_1327 : vector<16xf32>
      %broadcast_in_dim3A_1329 = vector.broadcast %scan3A_105 : f32 to vector<16xf32>
      %broadcast_in_dim3A_1330 = vector.broadcast %scan3A_102 : f32 to vector<16xf32>
      %select_n3A_1331 = arith.select %ge3A_1328, %broadcast_in_dim3A_1329, %broadcast_in_dim3A_1330 : vector<16xi1>, vector<16xf32>
      %broadcast_in_dim3A_1332 = vector.broadcast %scan3A_102 : f32 to vector<16xf32>
      %select_n3A_1333 = arith.select %ge3A_1328, %broadcast_in_dim3A_1332, %add3A_1326 : vector<16xi1>, vector<16xf32>
      %sub3A_1334 = arith.subf %select_n3A_1276, %select_n3A_1287 : vector<16xf32>
      %add3A_1335 = arith.addf %sub3A_1334, %select_n3A_1298 : vector<16xf32>
      %sub3A_1336 = arith.subf %add3A_1335, %select_n3A_1309 : vector<16xf32>
      %add3A_1337 = arith.addf %sub3A_1336, %select_n3A_1320 : vector<16xf32>
      %sub3A_1338 = arith.subf %add3A_1337, %select_n3A_1331 : vector<16xf32>
      %mul3A_1339 = vector.broadcast %scan3A_101 : f32 to vector<16xf32>
      %mul3A_1340 = arith.mulf %sub3A_1338, %mul3A_1339 : vector<16xf32>
      %neg3A_1341 = arith.constant 0.000000e+00 : f32
      %neg3A_1342 = vector.broadcast %neg3A_1341 : f32 to vector<16xf32>
      %neg3A_1343 = arith.subf %neg3A_1342, %mul3A_1340 : vector<16xf32>
      %mul3A_1344 = vector.broadcast %scan3A_104 : f32 to vector<16xf32>
      %mul3A_1345 = arith.mulf %select_n3A_1202, %mul3A_1344 : vector<16xf32>
      %add3A_1346 = arith.addf %mul3A_1345, %mul3A_1340 : vector<16xf32>
      %ge3A_1347 = vector.broadcast %scan3A_105 : f32 to vector<16xf32>
      %ge3A_1348 = arith.cmpf oge, %add3A_1346, %ge3A_1347 : vector<16xf32>
      %broadcast_in_dim3A_1349 = vector.broadcast %scan3A_102 : f32 to vector<16xf32>
      %select_n3A_1350 = arith.select %ge3A_1348, %broadcast_in_dim3A_1349, %add3A_1346 : vector<16xi1>, vector<16xf32>
      %add3A_1351 = vector.broadcast %scan3A_105 : f32 to vector<16xf32>
      %add3A_1352 = arith.addf %select_n3A_1205, %add3A_1351 : vector<16xf32>
      %select_n3A_1353 = arith.select %ge3A_1348, %add3A_1352, %select_n3A_1205 : vector<16xi1>, vector<16xf32>
      %mul3A_1354 = vector.broadcast %scan3A_104 : f32 to vector<16xf32>
      %mul3A_1355 = arith.mulf %select_n3A_1212, %mul3A_1354 : vector<16xf32>
      %add3A_1356 = arith.addf %mul3A_1355, %neg3A_1343 : vector<16xf32>
      %ge3A_1357 = vector.broadcast %scan3A_105 : f32 to vector<16xf32>
      %ge3A_1358 = arith.cmpf oge, %add3A_1356, %ge3A_1357 : vector<16xf32>
      %broadcast_in_dim3A_1359 = vector.broadcast %scan3A_102 : f32 to vector<16xf32>
      %select_n3A_1360 = arith.select %ge3A_1358, %broadcast_in_dim3A_1359, %add3A_1356 : vector<16xi1>, vector<16xf32>
      %add3A_1361 = vector.broadcast %scan3A_105 : f32 to vector<16xf32>
      %add3A_1362 = arith.addf %select_n3A_1215, %add3A_1361 : vector<16xf32>
      %select_n3A_1363 = arith.select %ge3A_1358, %add3A_1362, %select_n3A_1215 : vector<16xi1>, vector<16xf32>
      %swap3A = arith.constant 0 : i32
      %swap3A_1364 = arith.index_cast %swap3A : i32 to index
      %swap3A_1365 = arith.index_cast %mul3A_118 : i32 to index
      %swap3A_1366 = tpu.vector_load %arg5[%swap3A_1364, %swap3A_1365] {strides = array<i32>} : memref<4x512xf32, #tpu.memory_space<vmem>>, vector<1x16xf32>,
      %swap3A_1367 = vector.shape_cast %swap3A_1366 : vector<1x16xf32> to vector<16xf32>
      %swap3A_1368 = vector.shape_cast %select_n3A_1353 : vector<16xf32> to vector<1x16xf32>
      tpu.vector_store %arg5[%swap3A_1364, %swap3A_1365], %swap3A_1368 {strides = array<i32>} : memref<4x512xf32, #tpu.memory_space<vmem>>, vector<1x16xf32>,
      %swap3A_1369 = arith.constant 1 : i32
      %swap3A_1370 = arith.index_cast %swap3A_1369 : i32 to index
      %swap3A_1371 = arith.index_cast %mul3A_118 : i32 to index
      %swap3A_1372 = tpu.vector_load %arg5[%swap3A_1370, %swap3A_1371] {strides = array<i32>} : memref<4x512xf32, #tpu.memory_space<vmem>>, vector<1x16xf32>,
      %swap3A_1373 = vector.shape_cast %swap3A_1372 : vector<1x16xf32> to vector<16xf32>
      %swap3A_1374 = vector.shape_cast %select_n3A_1363 : vector<16xf32> to vector<1x16xf32>
      tpu.vector_store %arg5[%swap3A_1370, %swap3A_1371], %swap3A_1374 {strides = array<i32>} : memref<4x512xf32, #tpu.memory_space<vmem>>, vector<1x16xf32>,
      %swap3A_1375 = arith.constant 2 : i32
      %swap3A_1376 = arith.index_cast %swap3A_1375 : i32 to index
      %swap3A_1377 = arith.index_cast %mul3A_118 : i32 to index
      %swap3A_1378 = tpu.vector_load %arg5[%swap3A_1376, %swap3A_1377] {strides = array<i32>} : memref<4x512xf32, #tpu.memory_space<vmem>>, vector<1x16xf32>,
      %swap3A_1379 = vector.shape_cast %swap3A_1378 : vector<1x16xf32> to vector<16xf32>
      %swap3A_1380 = vector.shape_cast %select_n3A_1353 : vector<16xf32> to vector<1x16xf32>
      tpu.vector_store %arg5[%swap3A_1376, %swap3A_1377], %swap3A_1380 {strides = array<i32>} : memref<4x512xf32, #tpu.memory_space<vmem>>, vector<1x16xf32>,
      %swap3A_1381 = arith.constant 3 : i32
      %swap3A_1382 = arith.index_cast %swap3A_1381 : i32 to index
      %swap3A_1383 = arith.index_cast %mul3A_118 : i32 to index
      %swap3A_1384 = tpu.vector_load %arg5[%swap3A_1382, %swap3A_1383] {strides = array<i32>} : memref<4x512xf32, #tpu.memory_space<vmem>>, vector<1x16xf32>,
      %swap3A_1385 = vector.shape_cast %swap3A_1384 : vector<1x16xf32> to vector<16xf32>
      %swap3A_1386 = vector.shape_cast %select_n3A_1363 : vector<16xf32> to vector<1x16xf32>
      tpu.vector_store %arg5[%swap3A_1382, %swap3A_1383], %swap3A_1386 {strides = array<i32>} : memref<4x512xf32, #tpu.memory_space<vmem>>, vector<1x16xf32>,
      scf.yield %mul3A_1218, %mul3A_1221, %mul3A_1224, %mul3A_1227 : vector<16xi32>, vector<16xi32>, vector<16xi32>, vector<16xi32>
    }
    %scan3A_111 = arith.constant 32 : i32
    "tpu.region"() ({
      %run_scoped3A = tpu.sem_alloc : memref<!tpu.dma_semaphore, #tpu.memory_space<semaphore_mem>>
      %dma_start3A = arith.constant 0 : i32
      %dma_start3A_112 = arith.constant 0 : i32
      %dma_start3A_113 = tpu.memref_slice %arg3[%add3A, %dma_start3A, %dma_start3A_112] : memref<32x4x512xf32, #tpu.memory_space<hbm>> -> memref<1x4x512xf32, #tpu.memory_space<hbm>>
      %dma_start3A_114 = tpu.memref_squeeze %dma_start3A_113 : memref<1x4x512xf32, #tpu.memory_space<hbm>> -> memref<4x512xf32, #tpu.memory_space<hbm>>
      %dma_start3A_115 = arith.constant 0 : i32
      %dma_start3A_116 = arith.constant 0 : i32
      %dma_start3A_117 = tpu.memref_slice %arg3[%add3A, %dma_start3A_115, %dma_start3A_116] : memref<32x4x512xf32, #tpu.memory_space<hbm>> -> memref<1x4x512xf32, #tpu.memory_space<hbm>>
      %dma_start3A_118 = tpu.memref_squeeze %dma_start3A_117 : memref<1x4x512xf32, #tpu.memory_space<hbm>> -> memref<4x512xf32, #tpu.memory_space<hbm>>
      tpu.enqueue_dma source(%arg5 : memref<4x512xf32, #tpu.memory_space<vmem>>) target(%dma_start3A_118 : memref<4x512xf32, #tpu.memory_space<hbm>>) target_semaphore(%run_scoped3A : memref<!tpu.dma_semaphore, #tpu.memory_space<semaphore_mem>>)
      %dma_wait3A = arith.constant 0 : i32
      %dma_wait3A_119 = arith.constant 0 : i32
      %dma_wait3A_120 = tpu.memref_slice %arg3[%add3A, %dma_wait3A, %dma_wait3A_119] : memref<32x4x512xf32, #tpu.memory_space<hbm>> -> memref<1x4x512xf32, #tpu.memory_space<hbm>>
      %dma_wait3A_121 = tpu.memref_squeeze %dma_wait3A_120 : memref<1x4x512xf32, #tpu.memory_space<hbm>> -> memref<4x512xf32, #tpu.memory_space<hbm>>
      %dma_wait3A_122 = arith.constant 0 : i32
      %dma_wait3A_123 = arith.constant 0 : i32
      %dma_wait3A_124 = tpu.memref_slice %arg3[%add3A, %dma_wait3A_122, %dma_wait3A_123] : memref<32x4x512xf32, #tpu.memory_space<hbm>> -> memref<1x4x512xf32, #tpu.memory_space<hbm>>
      %dma_wait3A_125 = tpu.memref_squeeze %dma_wait3A_124 : memref<1x4x512xf32, #tpu.memory_space<hbm>> -> memref<4x512xf32, #tpu.memory_space<hbm>>
      tpu.wait_dma2 semaphore(%run_scoped3A : memref<!tpu.dma_semaphore, #tpu.memory_space<semaphore_mem>>) src(%arg5 : memref<4x512xf32, #tpu.memory_space<vmem>>) dst(%dma_wait3A_125 : memref<4x512xf32, #tpu.memory_space<hbm>>)
      tpu.yield
    }) : () -> ()
    return
  }
}

</mosaic_0001>

<sc_bundles>
// kernel: kernel.3.cloned.1.call-start
scs
__scs_entry_jumppad:
0x0: {  	(pc) =	sbr.rel $0x88, $3  }
0x1: {  	(tag) =	ssettag $0x0;
	lr =	simm.s32 $0x1  }
0x2: {  	[smem:$0x3FA0] =	sst lr;
	_ =	strace $0xD0000000  }
0x3: {  	_ = 	snop  }
0x4: {  	_ = 	snop  }
0x5: {  	_ = 	snop  }
0x6: {  	_ = 	snop  }
0x7: {  	_ = 	snop  }
__scs_overlays_trampoline_lowered:
0x8: {  	[smem:$0x3FAF] =	sst s0  }
0x9: {  	[smem:$0x3FB0] =	sst s1  }
0xa: {  	[smem:$0x3FB1] =	sst s2  }
0xb: {  	[smem:$0x3FB2] =	sst s3  }
0xc: {  	[smem:$0x3FB3] =	sst s4  }
0xd: {  	[smem:$0x3FB4] =	sst s5  }
0xe: {  	[smem:$0x3FB5] =	sst s6  }
0xf: {  	[smem:$0x3FB6] =	sst s7  }
0x10: {  	[smem:$0x3FB7] =	sst s8  }
0x11: {  	[smem:$0x3FB8] =	sst s9;
	s0 =	simm.s32 @!p0 $0x0  }
0x12: {  	s1 =	sld [smem:$0x3F9E];
	s0 =	simm.s32 @p0 $0x1  }
0x13: {  	[smem:$0x3FB9] =	sst s0;
	s0 =	simm.s32 @!p1 $0x0  }
0x14: {  	s2 =	sld [smem:$0x3F9D];
	s0 =	simm.s32 @p1 $0x1  }
0x15: {  	[smem:$0x3FBA] =	sst s0;
	s0 =	simm.s32 @!p2 $0x0  }
0x16: {  	s3 =	sld [smem:$0x3FDB];
	s0 =	simm.s32 @p2 $0x1  }
0x17: {  	s4 =	simm.s32 $0x1BF5;
	[smem:$0x3FBC] =	sst s0  }
0x18: {  	s0 =	sld [smem:$0x3F9F];
	_ =	swait.ge [sflag:s4], $0x0  }
0x19: {  	s7 =	sld [smem:$0x3FA0]  }
0x1a: {  	s8 =	sadd.s32 $0xFFFFE003, lr  }
0x1b: {  	s9 =	sadd.s32 $0xFFFFFEF7, lr;
	s5 =	simm.s32 $0xFFFFFFFF;
	p2 =	slt.u32 s8, $0xFFFFF086  }
0x1c: {  	p1 =	slt.u32 s9, $0xF7A;
	s5 =	simm.s32 @!p2 $0x0  }
0x1d: {  	s5 =	simm.s32 @p1 $0x1;
	p0 =	seq.s32 s7, s2  }
0x1e: {  	s7 =	smul.u32 @!p0 $0xF7A, s2;
	p2 =	seq.s32 @!p0 s5, $0x0  }
0x1f: {  	s9 =	smul.u32 $0xF7A, s1;
	s8 =	simm.s32 @!p0 $0x1BF5;
	p2 =	por !p2, p0  }
0x20: {  	[sflag:s8] =	ssyncset.s32 @!p0 $0xFFFFF086;
	s6 =	sadd.s32 @!p0 s3, s7;
	s7 =	simm.s32 @!p0 $0x108  }
0x21: {  	s3 =	sadd.s32 s3, s9;
	s6 =	sadd.s32 @!p0 $0x88, s6;
	s7 =	simm.s32 @p2 $0x1082  }
0x22: {  	[simem:s7], [sflag:s8] =	dma.local @!p0 [hbm:s6], $0xF7A  }
0x23: {  	s9 =	sor.u32 $0xD0000000, s2;
	s6 =	simm.s32 $0x108;
	_ =	swait.ge @!p0 [sflag:s8], $0x0  }
0x24: {  	s3 =	sadd.s32 $0x88, s3;
	s6 =	simm.s32 @!p1 $0x1082;
	[sflag:s4] =	ssyncset.s32 $0xFFFFF086  }
0x25: {  	[simem:s6], [sflag:s4] =	dma.local [hbm:s3], $0xF7A  }
0x26: {  	[smem:$0x3FA0] =	sst s1;
	(tag) =	ssettag s2;
	_ =	strace s9  }
0x27: {  	s1 =	sld [smem:$0x3FB0]  }
0x28: {  	s2 =	sld [smem:$0x3FB1]  }
0x29: {  	s4 =	sld [smem:$0x3FB3]  }
0x2a: {  	p0 =	seq.s32 s5, $0x0;
	s5 =	sld [smem:$0x3FB4]  }
0x2b: {  	s6 =	sld [smem:$0x3FB5]  }
0x2c: {  	s7 =	sld [smem:$0x3FB6]  }
0x2d: {  	s3 =	simm.s32 $0x108;
	s8 =	sld [smem:$0x3FB7]  }
0x2e: {  	s3 =	simm.s32 @!p0 $0x1082;
	s9 =	sld [smem:$0x3FB8]  }
0x2f: {  	lr =	sadd.s32 s0, s3;
	s0 =	sld [smem:$0x3FAF]  }
0x30: {  	s3 =	sld [smem:$0x3FB2]  }
0x31: {  	[smem:$0x3FBB] =	sst s10  }
0x32: {  	s10 =	sld [smem:$0x3FB9];
	_ =	sdelay $0x3  }
0x33: {  	p0 =	seq.s32 s10, $0x1;
	s10 =	sld [smem:$0x3FBB];
	_ =	sdelay $0x3  }
0x34: {  	[smem:$0x3FBB] =	sst s10  }
0x35: {  	s10 =	sld [smem:$0x3FBA];
	_ =	sdelay $0x3  }
0x36: {  	p1 =	seq.s32 s10, $0x1;
	s10 =	sld [smem:$0x3FBB];
	_ =	sdelay $0x3  }
0x37: {  	[smem:$0x3FBB] =	sst s10  }
0x38: {  	s10 =	sld [smem:$0x3FBC]  }
0x39: {  	_ = 	snop;
	(pc) =	sbr.ind lr, $3  }
0x3a: {  	_ = 	snop  }
0x3b: {  	_ = 	snop  }
0x3c: {  	p2 =	seq.s32 s10, $0x1;
	s10 =	sld [smem:$0x3FBB]  }
0x3d: {  	_ =	shalt  }
0x3e: {  	_ =	shalt  }
0x3f: {  	_ =	shalt  }
0x40: {  	_ =	shalt  }
0x41: {  	_ =	shalt  }
0x42: {  	_ =	shalt  }
0x43: {  	_ =	shalt  }
0x44: {  	_ =	shalt  }
0x45: {  	_ =	shalt  }
0x46: {  	_ =	shalt  }
0x47: {  	_ =	shalt  }
0x48: {  	_ =	shalt  }
0x49: {  	_ =	shalt  }
0x4a: {  	_ =	shalt  }
0x4b: {  	_ =	shalt  }
0x4c: {  	_ =	shalt  }
0x4d: {  	_ =	shalt  }
0x4e: {  	_ =	shalt  }
0x4f: {  	_ =	shalt  }
0x50: {  	_ =	shalt  }
0x51: {  	_ =	shalt  }
0x52: {  	_ =	shalt  }
0x53: {  	_ =	shalt  }
0x54: {  	_ =	shalt  }
0x55: {  	_ =	shalt  }
0x56: {  	_ =	shalt  }
0x57: {  	_ =	shalt  }
0x58: {  	_ =	shalt  }
0x59: {  	_ =	shalt  }
0x5a: {  	_ =	shalt  }
0x5b: {  	_ =	shalt  }
0x5c: {  	_ =	shalt  }
0x5d: {  	_ =	shalt  }
0x5e: {  	_ =	shalt  }
0x5f: {  	_ =	shalt  }
0x60: {  	_ =	shalt  }
0x61: {  	_ =	shalt  }
0x62: {  	_ =	shalt  }
0x63: {  	_ =	shalt  }
0x64: {  	_ =	shalt  }
0x65: {  	_ =	shalt  }
0x66: {  	_ =	shalt  }
0x67: {  	_ =	shalt  }
0x68: {  	_ =	shalt  }
0x69: {  	_ =	shalt  }
0x6a: {  	_ =	shalt  }
0x6b: {  	_ =	shalt  }
0x6c: {  	_ =	shalt  }
0x6d: {  	_ =	shalt  }
0x6e: {  	_ =	shalt  }
0x6f: {  	_ =	shalt  }
0x70: {  	_ =	shalt  }
0x71: {  	_ =	shalt  }
0x72: {  	_ =	shalt  }
0x73: {  	_ =	shalt  }
0x74: {  	_ =	shalt  }
0x75: {  	_ =	shalt  }
0x76: {  	_ =	shalt  }
0x77: {  	_ =	shalt  }
0x78: {  	_ =	shalt  }
0x79: {  	_ =	shalt  }
0x7a: {  	_ =	shalt  }
0x7b: {  	_ =	shalt  }
0x7c: {  	_ =	shalt  }
0x7d: {  	_ =	shalt  }
0x7e: {  	_ =	shalt  }
0x7f: {  	_ =	shalt  }
0x80: {  	_ =	shalt  }
0x81: {  	_ =	shalt  }
0x82: {  	_ =	shalt  }
0x83: {  	_ =	shalt  }
0x84: {  	_ =	shalt  }
0x85: {  	_ =	shalt  }
0x86: {  	_ =	shalt  }
0x87: {  	_ =	shalt  }
.Lfunc_end0:
.L_simem_size_0:
called_computation_lowered:
.L_overlay_start_0:
0x88: {  	s2 =	sld [smem:$0x3FD9]  }
0x89: {  	s3 =	sld [smem:$0x3FFE];
	_ =	sdelay $0x1  }
0x8a: {  	s1 =	srdreg.scid  }
0x8b: {  	s0 =	sand.u32 $0x1, s1  }
0x8c: {  	s18 =	sshll.u32 s0, $0xA;
	s2 =	sadd.s32 s3, s2  }
0x8d: {  	s2 =	sadd.s32 s2, s18  }
0x8e: {  	[smem:$0x3FC7] =	sst s2  }
0x8f: {  	_ = 	snop  }
0x90: {  	s2 =	sld [smem:$0x3FC9]  }
0x91: {  	s19 =	sld [smem:$0x3FD0];
	(tm) =	ssettm $0x1  }
0x92: {  	s4 =	sld [smem:$0x3FFB];
	_ =	sdelay $0x3  }
0x93: {  	_ =	strace s4  }
0x94: {  	s4 =	sld [smem:$0x3FFC];
	_ =	sdelay $0x3  }
0x95: {  	_ =	strace s4  }
0x96: {  	s4 =	sld [smem:$0x3FFD];
	_ =	sdelay $0x3  }
0x97: {  	_ =	strace s4  }
0x98: {  	_ =	strace $0x8FFFFFFF  }
0x99: {  	s20 =	sld [smem:$0x3FDB];
	_ =	sdelay $0x1  }
0x9a: {  	s5 =	simm.s32 $_scs_section_size  }
0x9b: {  	s6 =	simm.s32 $_size__tile_overlayer_lowered;
	s7 =	simm.s32 $_tile_overlayer_lowered  }
0x9c: {  	s23 =	simm.s32 $0x1BFF;
	s22 =	sshll.u32 s7, $0x1;
	s4 =	sadd.s32 s5, s20  }
0x9d: {  	s8 =	simm.s32 $0x0;
	s21 =	sshll.u32 s6, $0x1;
	s6 =	sadd.s32 s22, s4  }
0x9e: {  	[timem:s8], [sflag:s23] =	dma.local [hbm:s6], s21  }
0x9f: {  	_ =	swait.ge [sflag:s23], s21  }
0xa0: {  	s5 =	ssub.s32 $0x0, s21;
	[sflag:s23] =	ssyncset.done $0x0  }
0xa1: {  	[sflag:s23] =	ssyncadd.s32 s5;
	_ =	sdelay $0x1  }
0xa2: {  	s24 =	simm.s32 $0x1B8B  }
0xa3: {  	_ =	swait.ge [sflag:s24], $0x1  }
0xa4: {  	[sflag:s24] =	ssyncset.done $0x0  }
0xa5: {  	s25 =	simm.s32 $0x1B8E;
	[sflag:s24] =	ssyncadd.s32 $0xFFFFFFFF  }
0xa6: {  	s26 =	simm.s32 $execute0_lowered;
	[smem:$0x3FD2] =	sst s25  }
0xa7: {  	s5 =	sshll.u32 s26, $0x1;
	_ =	strace $0x80000046;
	[dreg:$0x1] =	wrdreg $0xFFFFFFFF  }
0xa8: {  	s28 =	simm.s32 $_size_execute0_lowered;
	s4 =	sadd.s32 s4, s5;
	[dreg:$0x0] =	wrdreg $0x0  }
0xa9: {  	s5 =	sshll.u32 s28, $0x1;
	[dreg:$0x2] =	wrdreg s4  }
0xaa: {  	[dreg:$0x3] =	wrdreg s5  }
0xab: {  	[dreg:$0x4] =	wrdreg $0xC0  }
0xac: {  	_ =	task [dreg:s8], $0x5FFFF  }
0xad: {  	[dreg:$0x1] =	wrdreg $0xFFFFFFFF  }
0xae: {  	[dreg:$0x0] =	wrdreg $0x60  }
0xaf: {  	[dreg:$0x2] =	wrdreg s2  }
0xb0: {  	[dreg:$0x3] =	wrdreg s19  }
0xb1: {  	[dreg:$0x4] =	wrdreg $0x9  }
0xb2: {  	_ =	task.clear_ibuf [dreg:s8], $0x5FFFF;
	_ =	strace $0x90000046  }
0xb3: {  	s29 =	simm.s32 $0x9;
	_ =	strace $0x80000048  }
0xb4: {  	_ =	swait.ge [sflag:s29], $0x1  }
0xb5: {  	[sflag:s29] =	ssyncadd.s32 $0xFFFFFFFF  }
0xb6: {  	_ =	strace $0x90000048  }
0xb7: {  	_ =	sfence  }
0xb8: {  	s30 =	sld [smem:$0x0];
	_ =	sdelay $0x2  }
0xb9: {  	s31 =	sshll.u32 s1, $0xD;
	s1 =	sshrl.u32 s1, $0x2  }
0xba: {  	s3 =	sand.u32 $0x4000, s31;
	s1 =	sadd.s32 s1, s30  }
0xbb: {  	s0 =	sor.u32 s3, s0;
	s1 =	sshll.u32 s1, $0x11  }
0xbc: {  	s0 =	sor.u32 s1, s0  }
0xbd: {  	s0 =	sadd.s32 $0x8F2B, s0  }
0xbe: {  	[sflag:s0] =	ssyncadd.remote.s32 $0x1  }
0xbf: {  	_ =	sfence.sel $0xFFFF  }
0xc0: {  	[dreg:$0x0] =	wrdreg $0xFFFFFFFF;
	(pc) =	sbr.abs _section_cstart, $3  }
0xc1: {  	[dreg:$0x1] =	wrdreg $0xFFFFFFFF  }
0xc2: {  	_ =	task.clear_ibuf [dreg:s8], $0x2FFFF;
	_ =	strace $0x9FFFFFFF  }
0xc3: {  	(tm) =	ssettm $0x7FFFFFFF  }
tec
execute0_lowered:
.L_overlay_start_1:
0x0: {  	(tag) =	ssettag $0x1  }
0x1: {  	s1 =	srdreg.scid;
	s0 =	stileid.u32  }
0x2: {  	s3 =	sand.u32 $0x1, s1;
	s30 =	sshll.u32 s0, $0x1  }
0x3: {  	s4 =	sor.u32 s3, s30  }
0x4: {  	s1 =	sshll.u32 s4, $0x4  }
0x5: {  	v0 =	vmov s1  }
0x6: {  	v0 =	vmul.u32 $0xFFACD4B4, v0  }
0x7: {  	v1 =	vlaneseq.u32  }
0x8: {  	v1 =	vmul.u32 $0xFFACD4B4, v1;
	v0 =	vbroadcast v0, $0x0;
	_ =	sdelay $0x1  }
0x9: {  	v2 =	vadd.s32 v1, v0  }
0xa: {  	v3 =	vshrl.u32 v2, $0xF  }
0xb: {  	v4 =	vadd.s32 $0xFFD66A5A, v1;
	v2 =	vxor.u32 v2, v3;
	v3 =	vadd.s32 $0x7FEB352D, v1  }
0xc: {  	v4 =	vadd.s32 v4, v0;
	v3 =	vadd.s32 v3, v0  }
0xd: {  	v1 =	vadd.s32 $0x7FC19F87, v1;
	v2 =	vmul.u32 $0x846CA68B, v2;
	v5 =	vshrl.u32 v3, $0xF  }
0xe: {  	v0 =	vadd.s32 v1, v0;
	v3 =	vxor.u32 v3, v5;
	v5 =	vshrl.u32 v4, $0xF  }
0xf: {  	s5 =	rddreg [dreg:$0x0];
	v1 =	vshrl.u32 v2, $0x10;
	v4 =	vxor.u32 v4, v5;
	v5 =	vshrl.u32 v0, $0xF  }
0x10: {  	s6 =	rddreg [dreg:$0x1];
	v3 =	vmul.u32 $0x846CA68B, v3;
	v4 =	vmul.u32 $0x846CA68B, v4;
	v0 =	vxor.u32 v0, v5  }
0x11: {  	s2 =	simm.s32 $0x0;
	s8 =	simm.s32 $0x0;
	s3 =	ssub.s32 $0x2, s3;
	v1 =	vxor.u32 v2, v1;
	v5 =	vmul.u32 $0x846CA68B, v0  }
0x12: {  	[smem:$0x7FF] =	sst s2;
	s7 =	sshrl.u32 s3, $0x1;
	s31 =	sshll.u32 s4, $0x9;
	v0 =	vor.u32 $0x1, v1;
	v1 =	vshrl.u32 v3, $0x10;
	v2 =	vshrl.u32 v4, $0x10  }
0x13: {  	s4 =	sshll.u32 s4, $0x8;
	s1 =	rddreg [dreg:$0x2];
	_ =	strace $0x80000047;
	v1 =	vxor.u32 v3, v1;
	v2 =	vxor.u32 v4, v2;
	v3 =	vshrl.u32 v5, $0x10  }
0x14: {  	s7 =	ssub.s32 s3, s7;
	s3 =	sadd.s32 s5, s31;
	s4 =	sadd.s32 s6, s4;
	v1 =	vor.u32 $0x1, v1;
	v4 =	vimm.f32 $2.147483650e+09;
	v3 =	vxor.u32 v5, v3  }
0x15: {  	s6 =	simm.s32 $0x1;
	s5 =	smax.u32 s7, $0x1;
	s7 =	simm.s32 $0x1000;
	v2 =	vor.u32 $0x1, v2;
	v5 =	vimm.f32 $0.0e+00;
	v3 =	vor.u32 $0x1, v3  }
.LBB2_1:
0x16: {  	[tilespmem:s2], [sflag:$0x1] =	stream.linear.gather [hbm4b:s3+s2], $0x1000, $0x38;
	[tilespmem:$0x1800] =	vst v63  }
0x17: {  	_ =	swait.ge [sflag:s6], $0x1000  }
0x18: {  	[sflag:s6] =	ssyncset.done $0x0  }
0x19: {  	s9 =	simm.s32 $0x0;
	v6 =	vmovc v3;
	v7 =	vmov v2;
	v8 =	vmov v1;
	v9 =	vmov v0;
	s10 =	simm.s32 $0x0;
	[sflag:s6] =	ssyncadd.s32 $0xFFFFF000  }
.LBB2_2:
0x1a: {  	s12 =	sshll.u32 s10, $0x7  }
0x1b: {  	s11 =	sand.u32 $0x70, s9;
	s12 =	sand.u32 $0x3FFFFC00, s12  }
0x1c: {  	s12 =	sor.u32 s11, s12  }
0x1d: {  	v10 =	vld [tilespmem:s12+$0x0]  }
0x1e: {  	v11 =	vld [tilespmem:s12+$0x80]  }
0x1f: {  	v13 =	vld [tilespmem:s12+$0x100]  }
0x20: {  	v15 =	vld [tilespmem:s12+$0x180]  }
0x21: {  	v16 =	vld [tilespmem:s12+$0x200]  }
0x22: {  	v34 =	vmul.u32 $0x93D765DD, v9;
	v35 =	vmul.u32 $0x93D765DD, v8;
	v19 =	vld [tilespmem:s12+$0x280]  }
0x23: {  	v36 =	vmul.u32 $0x93D765DD, v7;
	v37 =	vmul.u32 $0x93D765DD, v6;
	v21 =	vmul.u32 $0xD765DD00, v9;
	v20 =	vld [tilespmem:s12+$0x300]  }
0x24: {  	v38 =	vmul.u32 $0xD765DD00, v8;
	v47 =	vmul.u32 $0xFBE20C9, v9;
	v49 =	vmul.u32 $0xFBE20C9, v7  }
0x25: {  	v50 =	vmul.u32 $0xFBE20C9, v6;
	v10 =	vmul.f32 $4.294967300e+09, v10;
	v11 =	vmul.f32 $4.294967300e+09, v11  }
0x26: {  	v51 =	vmul.u32 $0xBE20C900, v9;
	v13 =	vmul.f32 $4.294967300e+09, v13;
	v15 =	vmul.f32 $4.294967300e+09, v15  }
0x27: {  	v52 =	vmul.u32 $0xBE20C900, v8;
	v16 =	vmul.f32 $4.294967300e+09, v16;
	v26 =	vmul.f32 $4.294967300e+09, v19  }
0x28: {  	v28 =	vmul.f32 $4.294967300e+09, v20;
	v12 =	vsub.f32 v10, v4;
	v14 =	vtrunc.f32 v10  }
0x29: {  	v60 =	vsub.f32 v11, v4;
	vm9 =	vlt.f32 v11, $2.147483650e+09;
	v11 =	vtrunc.f32 v11  }
0x2a: {  	vm0 =	vlt.f32 v10, $2.147483650e+09;
	v18 =	vtrunc.f32 v13;
	v63 =	vtrunc.f32 v15  }
0x2b: {  	v25 =	vsub.f32 v16, v4;
	vm11 =	vlt.f32 v16, $2.147483650e+09;
	v16 =	vtrunc.f32 v16  }
0x2c: {  	v62 =	vsub.f32 v13, v4;
	v19 =	vtrunc.f32 v26;
	v32 =	vtrunc.f32 v28  }
0x2d: {  	v17 =	vsub.f32 v15, v4;
	v10 =	vcvt.f32.s32 v14;
	v11 =	vcvt.f32.s32 v11  }
0x2e: {  	vm1 =	vlt.f32 v15, $2.147483650e+09;
	v23 =	vcvt.f32.s32 v18;
	v16 =	vcvt.f32.s32 v16  }
0x2f: {  	v29 =	vsub.f32 v26, v4;
	v19 =	vcvt.f32.s32 v19;
	v15 =	vcvt.f32.s32 v32  }
0x30: {  	v20 =	vsub.f32 v28, v4;
	v12 =	vtrunc.f32 v12;
	v14 =	vtrunc.f32 v62  }
0x31: {  	v54 =	vmul.u32 $0xBE20C900, v7;
	v17 =	vtrunc.f32 v17;
	v18 =	vtrunc.f32 v29  }
0x32: {  	vm10 =	vlt.f32 v13, $2.147483650e+09;
	v31 =	vtrunc.f32 v20;
	v12 =	vcvt.f32.s32 v12  }
0x33: {  	vm12 =	vlt.f32 v26, $2.147483650e+09;
	v14 =	vcvt.f32.s32 v14;
	v22 =	vcvt.f32.s32 v17  }
0x34: {  	vm13 =	vlt.f32 v28, $2.147483650e+09;
	v30 =	vcvt.f32.s32 v18;
	v18 =	vcvt.f32.s32 v31  }
0x35: {  	v61 =	vtrunc.f32 v60;
	v27 =	vtrunc.f32 v25;
	v12 =	vxor.u32 $0x80000000, v12  }
0x36: {  	v14 =	vxor.u32 $0x80000000, v14;
	v24 =	vxor.u32 $0x80000000, v22;
	v33 =	vxor.u32 $0x80000000, v18  }
0x37: {  	v10 =	vsel vm0, v10, v12;
	v12 =	vcvt.f32.s32 v61;
	v13 =	vsel vm10, v23, v14  }
0x38: {  	v14 =	vcvt.f32.s32 v27;
	v15 =	vsel vm13, v15, v33;
	v23 =	vmul.u32 $0xD765DD00, v7  }
0x39: {  	v27 =	vmul.u32 $0xFBE20C9, v8;
	vm14 =	vlt.u32 v34, v10;
	vm4 =	vlt.u32 v36, v13  }
0x3a: {  	vm10 =	vlt.u32 v49, v13;
	v12 =	vxor.u32 $0x80000000, v12;
	v14 =	vxor.u32 $0x80000000, v14  }
0x3b: {  	v18 =	vsel vm14, $0x3DCCCCCD, v5;
	v39 =	vsel vm4, $0x3DCCCCCD, v5;
	vm8 =	vlt.u32 v23, v15  }
0x3c: {  	v29 =	vsel vm10, $0x3DCCCCCD, v5;
	vm14 =	vlt.u32 v54, v15;
	v11 =	vsel vm9, v11, v12  }
0x3d: {  	v12 =	vcvt.f32.s32 v63;
	v14 =	vsel vm11, v16, v14;
	v16 =	vxor.u32 $0x80000000, v30  }
0x3e: {  	v45 =	vsel vm8, $0x3DCCCCCD, v5;
	v57 =	vsel vm14, $0x3DCCCCCD, v5;
	v16 =	vsel vm12, v19, v16  }
0x3f: {  	vm15 =	vlt.u32 v35, v11;
	vm6 =	vlt.u32 v21, v14;
	vm9 =	vlt.u32 v27, v11  }
0x40: {  	vm12 =	vlt.u32 v51, v14;
	v12 =	vsel vm1, v12, v24;
	v20 =	vsel vm15, $0x3DCCCCCD, v5  }
0x41: {  	vm7 =	vlt.u32 v38, v16;
	v42 =	vsel vm6, $0x3DCCCCCD, v5;
	vm6 =	vlt.u32 v47, v10  }
0x42: {  	v27 =	vsel vm9, $0x3DCCCCCD, v5;
	vm13 =	vlt.u32 v52, v16;
	v47 =	vmul.u32 $0xE09A8500, v8  }
0x43: {  	vm5 =	vlt.u32 v37, v12;
	v40 =	vsub.f32 v18, v20;
	v41 =	vsub.f32 v20, v39  }
0x44: {  	v43 =	vsel vm7, $0x3DCCCCCD, v5;
	v28 =	vsel vm6, $0x3DCCCCCD, v5;
	vm11 =	vlt.u32 v50, v12  }
0x45: {  	v31 =	vsel vm13, $0x3DCCCCCD, v5;
	v55 =	vsub.f32 v27, v29;
	v22 =	vsel vm5, $0x3DCCCCCD, v5  }
0x46: {  	v20 =	vsub.f32 v42, v43;
	v21 =	vsub.f32 v43, v45;
	v30 =	vsel vm11, $0x3DCCCCCD, v5  }
0x47: {  	v53 =	vsub.f32 v28, v27;
	v45 =	vmul.u32 $0x8DE09A85, v7;
	vm5 =	vge.f32 v40, $1.000000000e+00  }
0x48: {  	vm3 =	vge.f32 v41, $1.000000000e+00;
	v19 =	vsub.f32 v39, v22;
	v22 =	vsub.f32 v22, v42  }
0x49: {  	v17 =	vmul.f32 $8.999999760e-01, v40;
	v18 =	vmul.f32 $8.999999760e-01, v41;
	v56 =	vsub.f32 v29, v30  }
0x4a: {  	v42 =	vmul.u32 $0x8DE09A85, v9;
	v44 =	vsel vm5, $0x3F800000, v5;
	v24 =	vsel vm3, $0x3F800000, v5  }
0x4b: {  	vm4 =	vge.f32 v20, $1.000000000e+00;
	vm0 =	vge.f32 v21, $1.000000000e+00;
	v20 =	vmul.f32 $8.999999760e-01, v20  }
0x4c: {  	vm14 =	vlt.u32 v45, v13;
	vm2 =	vge.f32 v19, $1.000000000e+00;
	v23 =	vsub.f32 v44, v24  }
0x4d: {  	vm1 =	vge.f32 v22, $1.000000000e+00;
	v48 =	vsel vm4, $0x3F800000, v5;
	v26 =	vsel vm0, $0x3F800000, v5  }
0x4e: {  	v17 =	vsel vm5, $0x0, v17;
	v18 =	vsel vm3, $0x0, v18;
	v19 =	vmul.f32 $8.999999760e-01, v19  }
0x4f: {  	v59 =	vmul.f32 $8.999999760e-01, v22;
	v44 =	vmul.u32 $0x8DE09A85, v8;
	v49 =	vsel vm14, $0x3DCCCCCD, v5  }
0x50: {  	v25 =	vsel vm2, $0x3F800000, v5;
	v46 =	vsel vm1, $0x3F800000, v5;
	v24 =	vadd.f32 v17, v53  }
0x51: {  	v18 =	vadd.f32 v18, v55;
	v62 =	vsel vm4, $0x0, v20;
	v23 =	vadd.f32 v25, v23  }
0x52: {  	v25 =	vsel vm12, $0x3DCCCCCD, v5;
	v19 =	vsel vm2, $0x0, v19;
	v17 =	vsel vm1, $0x0, v59  }
0x53: {  	vm12 =	vlt.u32 v42, v10;
	vm13 =	vlt.u32 v44, v11;
	v42 =	vmul.u32 $0x8EDDD100, v8  }
0x54: {  	vm15 =	vge.f32 v24, $1.000000000e+00;
	vm2 =	vge.f32 v18, $1.000000000e+00;
	v19 =	vadd.f32 v19, v56  }
0x55: {  	v61 =	vsub.f32 v30, v25;
	v25 =	vsub.f32 v25, v31;
	v30 =	vmul.f32 $8.999999760e-01, v21  }
0x56: {  	v31 =	vsub.f32 v31, v57;
	v24 =	vmul.f32 $8.999999760e-01, v24;
	v18 =	vmul.f32 $8.999999760e-01, v18  }
0x57: {  	v23 =	vsub.f32 v23, v46;
	v58 =	vsel vm15, $0x3F800000, v5;
	v60 =	vsel vm2, $0x3F800000, v5  }
0x58: {  	v46 =	vmul.u32 $0x8DE09A85, v6;
	vm3 =	vge.f32 v19, $1.000000000e+00;
	v29 =	vadd.f32 v17, v61  }
0x59: {  	v63 =	vsub.f32 v58, v60;
	v25 =	vadd.f32 v62, v25;
	v17 =	vsel vm0, $0x0, v30  }
0x5a: {  	v30 =	vsel vm13, $0x3DCCCCCD, v5;
	v24 =	vsel vm15, $0x0, v24;
	v18 =	vsel vm2, $0x0, v18  }
0x5b: {  	v19 =	vmul.f32 $8.999999760e-01, v19;
	v62 =	vmul.u32 $0x3C8EDDD1, v9;
	v23 =	vadd.f32 v48, v23  }
0x5c: {  	v28 =	vsel vm3, $0x3F800000, v5;
	v21 =	vadd.f32 v17, v31;
	vm8 =	vlt.u32 v46, v12  }
0x5d: {  	v48 =	vmul.u32 $0xE09A8500, v7;
	v53 =	vsub.f32 v30, v49;
	vm4 =	vge.f32 v29, $1.000000000e+00  }
0x5e: {  	v20 =	vadd.f32 v28, v63;
	vm5 =	vge.f32 v25, $1.000000000e+00;
	v51 =	vsel vm8, $0x3DCCCCCD, v5  }
0x5f: {  	v19 =	vsel vm3, $0x0, v19;
	v29 =	vmul.f32 $8.999999760e-01, v29;
	v25 =	vmul.f32 $8.999999760e-01, v25  }
0x60: {  	vm14 =	vlt.u32 v62, v10;
	v62 =	vmul.u32 $0xF25FF26D, v6;
	v32 =	vsub.f32 v23, v26  }
0x61: {  	v33 =	vsel vm4, $0x3F800000, v5;
	v36 =	vsel vm5, $0x3F800000, v5;
	vm1 =	vge.f32 v21, $1.000000000e+00  }
0x62: {  	vm13 =	vlt.u32 v48, v15;
	v18 =	vadd.f32 v18, v53;
	v21 =	vmul.f32 $8.999999760e-01, v21  }
0x63: {  	v34 =	vsub.f32 v20, v33;
	v38 =	vsel vm1, $0x3F800000, v5;
	v33 =	vmul.u32 $0xE09A8500, v9  }
0x64: {  	v55 =	vsel vm13, $0x3DCCCCCD, v5;
	v29 =	vsel vm4, $0x0, v29;
	v25 =	vsel vm5, $0x0, v25  }
0x65: {  	v35 =	vmul.f32 $1.000000010e-01, v32;
	v32 =	vsel vm12, $0x3DCCCCCD, v5;
	vm12 =	vlt.u32 v47, v16  }
0x66: {  	vm3 =	vge.f32 v18, $1.000000000e+00;
	v21 =	vsel vm1, $0x0, v21;
	v18 =	vmul.f32 $8.999999760e-01, v18  }
0x67: {  	v17 =	vadd.f32 v36, v34;
	vm15 =	vlt.u32 v33, v14;
	v50 =	vsub.f32 v32, v30  }
0x68: {  	v54 =	vsel vm12, $0x3DCCCCCD, v5;
	v33 =	vsub.f32 v49, v51;
	v57 =	vsel vm3, $0x3F800000, v5  }
0x69: {  	v37 =	vadd.f32 $0.0e+00, v35;
	v39 =	vsub.f32 $0.0e+00, v35;
	vm11 =	vge.f32 v35, $1.000000000e+00  }
0x6a: {  	v52 =	vsel vm15, $0x3DCCCCCD, v5;
	v27 =	vsub.f32 v54, v55;
	v17 =	vsub.f32 v17, v38  }
0x6b: {  	v18 =	vsel vm3, $0x0, v18;
	v24 =	vadd.f32 v24, v50;
	v19 =	vadd.f32 v19, v33  }
0x6c: {  	v41 =	vsel vm11, $0x3F800000, v5;
	v32 =	vsub.f32 v51, v52;
	v31 =	vsub.f32 v52, v54  }
0x6d: {  	v38 =	vmul.u32 $0x3C8EDDD1, v7;
	v22 =	vmul.f32 $8.999999760e-01, v37;
	vm7 =	vge.f32 v39, $1.000000000e+00  }
0x6e: {  	v23 =	vmul.f32 $8.999999760e-01, v39;
	v43 =	vadd.f32 $1.000000000e+00, v41;
	v21 =	vadd.f32 v21, v27  }
0x6f: {  	v37 =	vmul.u32 $0x3C8EDDD1, v8;
	v39 =	vmul.u32 $0x3C8EDDD1, v6;
	v40 =	vmul.f32 $1.000000010e-01, v17  }
0x70: {  	v17 =	vsel vm7, $0x3F800000, v5;
	v29 =	vadd.f32 v29, v32;
	vm4 =	vge.f32 v19, $1.000000000e+00  }
0x71: {  	v25 =	vadd.f32 v25, v31;
	vm12 =	vlt.u32 v38, v13;
	v19 =	vmul.f32 $8.999999760e-01, v19  }
0x72: {  	v38 =	vmul.u32 $0x5FF26D00, v7;
	v22 =	vsel vm11, $0x0, v22;
	v23 =	vsel vm7, $0x0, v23  }
0x73: {  	vm7 =	vge.f32 v24, $1.000000000e+00;
	v58 =	vsel vm4, $0x3F800000, v5;
	vm1 =	vge.f32 v21, $1.000000000e+00  }
0x74: {  	v63 =	vadd.f32 $1.000000000e+00, v17;
	vm15 =	vlt.u32 v37, v11;
	v24 =	vmul.f32 $8.999999760e-01, v24  }
0x75: {  	v30 =	vsel vm12, $0x3DCCCCCD, v5;
	vm13 =	vlt.u32 v39, v12;
	v21 =	vmul.f32 $8.999999760e-01, v21  }
0x76: {  	v37 =	vmul.u32 $0x5FF26D00, v8;
	v22 =	vadd.f32 v40, v22;
	v20 =	vsub.f32 $0.0e+00, v40  }
0x77: {  	v56 =	vsel vm7, $0x3F800000, v5;
	vm5 =	vge.f32 v29, $1.000000000e+00;
	vm6 =	vge.f32 v25, $1.000000000e+00  }
0x78: {  	v36 =	vsel vm1, $0x3F800000, v5;
	v40 =	vsel vm14, $0x3DCCCCCD, v5;
	v31 =	vsel vm15, $0x3DCCCCCD, v5  }
0x79: {  	v44 =	vsel vm13, $0x3DCCCCCD, v5;
	vm15 =	vlt.u32 v42, v16;
	v19 =	vsel vm4, $0x0, v19  }
0x7a: {  	v29 =	vmul.f32 $8.999999760e-01, v29;
	v25 =	vmul.f32 $8.999999760e-01, v25;
	v32 =	vsub.f32 v56, v57  }
0x7b: {  	v60 =	vsel vm5, $0x3F800000, v5;
	v61 =	vsel vm6, $0x3F800000, v5;
	v24 =	vsel vm7, $0x0, v24  }
0x7c: {  	v46 =	vsel vm15, $0x3DCCCCCD, v5;
	v21 =	vsel vm1, $0x0, v21;
	vm0 =	vge.f32 v22, $1.000000000e+00  }
0x7d: {  	v20 =	vadd.f32 v20, v23;
	v29 =	vsel vm5, $0x0, v29;
	v25 =	vsel vm6, $0x0, v25  }
0x7e: {  	v22 =	vmul.f32 $8.999999760e-01, v22;
	v59 =	vadd.f32 v58, v32;
	v26 =	vsel vm0, v43, v41  }
0x7f: {  	v41 =	vmul.u32 $0x8EDDD100, v9;
	v32 =	vsub.f32 v40, v31;
	v43 =	vmul.u32 $0x8EDDD100, v7  }
0x80: {  	v31 =	vsub.f32 v31, v30;
	v30 =	vsub.f32 v30, v44;
	v58 =	vmul.u32 $0xF25FF26D, v9  }
0x81: {  	vm2 =	vge.f32 v20, $1.000000000e+00;
	v22 =	vsel vm0, $0x0, v22;
	v20 =	vmul.f32 $8.999999760e-01, v20  }
0x82: {  	v57 =	vadd.f32 $1.000000000e+00, v26;
	v23 =	vsub.f32 v59, v60;
	vm14 =	vlt.u32 v41, v14  }
0x83: {  	v24 =	vadd.f32 v24, v32;
	vm10 =	vlt.u32 v43, v15;
	v18 =	vadd.f32 v18, v31  }
0x84: {  	v19 =	vadd.f32 v19, v30;
	v17 =	vsel vm2, v63, v17;
	v60 =	vmul.u32 $0xF25FF26D, v8  }
0x85: {  	vm13 =	vlt.u32 v58, v10;
	v45 =	vsel vm14, $0x3DCCCCCD, v5;
	v47 =	vsel vm10, $0x3DCCCCCD, v5  }
0x86: {  	v20 =	vsel vm2, $0x0, v20;
	v28 =	vadd.f32 $1.000000000e+00, v17;
	v63 =	vsel vm13, $0x3DCCCCCD, v5  }
0x87: {  	v23 =	vadd.f32 v61, v23;
	vm7 =	vge.f32 v24, $1.000000000e+00;
	v33 =	vsub.f32 v44, v45  }
0x88: {  	vm3 =	vge.f32 v18, $1.000000000e+00;
	v27 =	vsub.f32 v45, v46;
	vm4 =	vge.f32 v19, $1.000000000e+00  }
0x89: {  	v51 =	vsub.f32 v46, v47;
	v61 =	vmul.u32 $0xF25FF26D, v7;
	v24 =	vmul.f32 $8.999999760e-01, v24  }
0x8a: {  	vm14 =	vlt.u32 v60, v11;
	v18 =	vmul.f32 $8.999999760e-01, v18;
	v19 =	vmul.f32 $8.999999760e-01, v19  }
0x8b: {  	v48 =	vsel vm7, $0x3F800000, v5;
	v49 =	vsel vm3, $0x3F800000, v5;
	v23 =	vsub.f32 v23, v36  }
0x8c: {  	v60 =	vmul.u32 $0x4491900, v8;
	v29 =	vadd.f32 v29, v33;
	v30 =	vsub.f32 v48, v49  }
0x8d: {  	v50 =	vsel vm4, $0x3F800000, v5;
	v25 =	vadd.f32 v25, v27;
	v21 =	vadd.f32 v21, v51  }
0x8e: {  	v36 =	vmul.u32 $0x5FF26D00, v9;
	vm15 =	vlt.u32 v61, v13;
	v24 =	vsel vm7, $0x0, v24  }
0x8f: {  	v18 =	vsel vm3, $0x0, v18;
	v19 =	vsel vm4, $0x0, v19;
	v61 =	vmul.u32 $0x4491900, v7  }
0x90: {  	v39 =	vsel vm15, $0x3DCCCCCD, v5;
	vm15 =	vlt.u32 v38, v15;
	vm5 =	vge.f32 v29, $1.000000000e+00  }
0x91: {  	v30 =	vadd.f32 v50, v30;
	vm6 =	vge.f32 v25, $1.000000000e+00;
	v23 =	vmul.f32 $1.000000010e-01, v23  }
0x92: {  	vm1 =	vge.f32 v21, $1.000000000e+00;
	vm13 =	vlt.u32 v36, v14;
	v29 =	vmul.f32 $8.999999760e-01, v29  }
0x93: {  	v45 =	vsel vm15, $0x3DCCCCCD, v5;
	v25 =	vmul.f32 $8.999999760e-01, v25;
	v21 =	vmul.f32 $8.999999760e-01, v21  }
0x94: {  	vm15 =	vlt.u32 v60, v16;
	v60 =	vmul.u32 $0x9B88F795, v7;
	v52 =	vsel vm5, $0x3F800000, v5  }
0x95: {  	v54 =	vsel vm6, $0x3F800000, v5;
	v56 =	vsel vm1, $0x3F800000, v5;
	v42 =	vsel vm13, $0x3DCCCCCD, v5  }
0x96: {  	v36 =	vsel vm15, $0x3DCCCCCD, v5;
	v53 =	vsub.f32 v30, v52;
	v55 =	vsub.f32 $0.0e+00, v23  }
0x97: {  	v22 =	vadd.f32 v23, v22;
	v30 =	vsel vm14, $0x3DCCCCCD, v5;
	vm14 =	vlt.u32 v37, v16  }
0x98: {  	v29 =	vsel vm5, $0x0, v29;
	v25 =	vsel vm6, $0x0, v25;
	v21 =	vsel vm1, $0x0, v21  }
0x99: {  	v52 =	vmul.u32 $0x48044919, v9;
	v40 =	vsub.f32 v63, v30;
	v43 =	vsub.f32 v30, v39  }
0x9a: {  	v44 =	vsel vm14, $0x3DCCCCCD, v5;
	v27 =	vadd.f32 v54, v53;
	vm11 =	vge.f32 v22, $1.000000000e+00  }
0x9b: {  	v20 =	vadd.f32 v55, v20;
	v22 =	vmul.f32 $8.999999760e-01, v22;
	v31 =	vsub.f32 v42, v44  }
0x9c: {  	v55 =	vmul.u32 $0x48044919, v8;
	vm10 =	vlt.u32 v52, v10;
	v26 =	vsel vm11, v57, v26  }
0x9d: {  	v24 =	vadd.f32 v24, v40;
	v18 =	vadd.f32 v18, v43;
	v57 =	vmul.u32 $0x48044919, v6  }
0x9e: {  	v58 =	vsel vm10, $0x3DCCCCCD, v5;
	v23 =	vsub.f32 v27, v56;
	vm12 =	vge.f32 v20, $1.000000000e+00  }
0x9f: {  	v22 =	vsel vm11, $0x0, v22;
	v20 =	vmul.f32 $8.999999760e-01, v20;
	v59 =	vadd.f32 $1.000000000e+00, v26  }
0xa0: {  	v25 =	vadd.f32 v25, v31;
	v27 =	vsub.f32 v44, v45;
	v56 =	vmul.u32 $0x48044919, v7  }
0xa1: {  	vm11 =	vlt.u32 v55, v11;
	v17 =	vsel vm12, v28, v17;
	vm9 =	vge.f32 v24, $1.000000000e+00  }
0xa2: {  	vm2 =	vge.f32 v18, $1.000000000e+00;
	v31 =	vsel vm11, $0x3DCCCCCD, v5;
	v24 =	vmul.f32 $8.999999760e-01, v24  }
0xa3: {  	vm13 =	vlt.u32 v57, v12;
	v18 =	vmul.f32 $8.999999760e-01, v18;
	v57 =	vmul.u32 $0x9B88F795, v9  }
0xa4: {  	v23 =	vmul.f32 $1.000000010e-01, v23;
	v20 =	vsel vm12, $0x0, v20;
	vm12 =	vlt.u32 v62, v12  }
0xa5: {  	v46 =	vsel vm9, $0x3F800000, v5;
	v47 =	vsel vm2, $0x3F800000, v5;
	vm8 =	vge.f32 v25, $1.000000000e+00  }
0xa6: {  	v21 =	vadd.f32 v21, v27;
	v53 =	vadd.f32 $1.000000000e+00, v17;
	v62 =	vsel vm13, $0x3DCCCCCD, v5  }
0xa7: {  	v25 =	vmul.f32 $8.999999760e-01, v25;
	v41 =	vsel vm12, $0x3DCCCCCD, v5;
	v51 =	vsel vm8, $0x3F800000, v5  }
0xa8: {  	vm12 =	vlt.u32 v56, v13;
	v24 =	vsel vm9, $0x0, v24;
	vm9 =	vlt.u32 v61, v15  }
0xa9: {  	v18 =	vsel vm2, $0x0, v18;
	v61 =	vmul.u32 $0x9B88F795, v6;
	v22 =	vadd.f32 v23, v22  }
0xaa: {  	v6 =	vmul.u32 $0xCC0E84A1, v6;
	v23 =	vsub.f32 $0.0e+00, v23;
	v33 =	vsub.f32 v39, v41  }
0xab: {  	v32 =	vsub.f32 v41, v42;
	vm3 =	vge.f32 v21, $1.000000000e+00;
	v30 =	vsel vm12, $0x3DCCCCCD, v5  }
0xac: {  	v37 =	vsel vm9, $0x3DCCCCCD, v5;
	v25 =	vsel vm8, $0x0, v25;
	v21 =	vmul.f32 $8.999999760e-01, v21  }
0xad: {  	vm12 =	vlt.u32 v57, v10;
	v54 =	vsel vm3, $0x3F800000, v5;
	vm15 =	vlt.u32 v61, v12  }
0xae: {  	vm0 =	vge.f32 v22, $1.000000000e+00;
	v19 =	vadd.f32 v19, v33;
	v29 =	vadd.f32 v29, v32  }
0xaf: {  	v32 =	vsub.f32 v46, v47;
	v20 =	vadd.f32 v23, v20;
	v22 =	vmul.f32 $8.999999760e-01, v22  }
0xb0: {  	v21 =	vsel vm3, $0x0, v21;
	v26 =	vsel vm0, v59, v26;
	v59 =	vmul.u32 $0x4491900, v9  }
0xb1: {  	vm4 =	vge.f32 v19, $1.000000000e+00;
	vm7 =	vge.f32 v29, $1.000000000e+00;
	vm1 =	vge.f32 v20, $1.000000000e+00  }
0xb2: {  	v19 =	vmul.f32 $8.999999760e-01, v19;
	v29 =	vmul.f32 $8.999999760e-01, v29;
	v22 =	vsel vm0, $0x0, v22  }
0xb3: {  	v20 =	vmul.f32 $8.999999760e-01, v20;
	v48 =	vsel vm4, $0x3F800000, v5;
	v50 =	vsel vm7, $0x3F800000, v5  }
0xb4: {  	vm14 =	vlt.u32 v59, v14;
	v47 =	vsel vm1, v53, v17;
	v49 =	vadd.f32 v48, v32  }
0xb5: {  	v32 =	vsub.f32 v58, v31;
	v63 =	vsel vm14, $0x3DCCCCCD, v5;
	v31 =	vsub.f32 v31, v30  }
0xb6: {  	v30 =	vsub.f32 v30, v62;
	v19 =	vsel vm4, $0x0, v19;
	v29 =	vsel vm7, $0x0, v29  }
0xb7: {  	v48 =	vsel vm1, $0x0, v20;
	v52 =	vadd.f32 $1.000000000e+00, v47;
	v33 =	vsub.f32 v62, v63  }
0xb8: {  	v58 =	vmul.u32 $0x9B88F795, v8;
	v27 =	vsub.f32 v63, v36;
	v23 =	vsub.f32 v49, v50  }
0xb9: {  	vm14 =	vlt.u32 v60, v13;
	v24 =	vadd.f32 v24, v32;
	v31 =	vadd.f32 v18, v31  }
0xba: {  	v63 =	vmul.u32 $0x88F79500, v9;
	v30 =	vadd.f32 v19, v30;
	v18 =	vsub.f32 v36, v37  }
0xbb: {  	v49 =	vadd.f32 $1.000000000e+00, v26;
	vm13 =	vlt.u32 v58, v11;
	v36 =	vsel vm14, $0x3DCCCCCD, v5  }
0xbc: {  	v32 =	vsel vm15, $0x3DCCCCCD, v5;
	v29 =	vadd.f32 v29, v33;
	v25 =	vadd.f32 v25, v27  }
0xbd: {  	v37 =	vmul.u32 $0x88F79500, v8;
	v27 =	vsub.f32 v36, v32;
	v23 =	vadd.f32 v51, v23  }
0xbe: {  	vm5 =	vge.f32 v24, $1.000000000e+00;
	vm6 =	vge.f32 v31, $1.000000000e+00;
	vm4 =	vge.f32 v30, $1.000000000e+00  }
0xbf: {  	v21 =	vadd.f32 v21, v18;
	v24 =	vmul.f32 $8.999999760e-01, v24;
	v30 =	vmul.f32 $8.999999760e-01, v30  }
0xc0: {  	v38 =	vsel vm5, $0x3F800000, v5;
	v39 =	vsel vm6, $0x3F800000, v5;
	v40 =	vsel vm4, $0x3F800000, v5  }
0xc1: {  	vm2 =	vge.f32 v29, $1.000000000e+00;
	vm3 =	vge.f32 v25, $1.000000000e+00;
	v29 =	vmul.f32 $8.999999760e-01, v29  }
0xc2: {  	v25 =	vmul.f32 $8.999999760e-01, v25;
	v23 =	vsub.f32 v23, v54;
	v19 =	vsub.f32 v38, v39  }
0xc3: {  	v41 =	vsel vm2, $0x3F800000, v5;
	v44 =	vsel vm3, $0x3F800000, v5;
	vm7 =	vge.f32 v21, $1.000000000e+00  }
0xc4: {  	v24 =	vsel vm5, $0x0, v24;
	v39 =	vmul.f32 $8.999999760e-01, v31;
	v30 =	vsel vm4, $0x0, v30  }
0xc5: {  	v21 =	vmul.f32 $8.999999760e-01, v21;
	v46 =	vsel vm7, $0x3F800000, v5;
	v27 =	vadd.f32 v30, v27  }
0xc6: {  	v29 =	vsel vm2, $0x0, v29;
	v25 =	vsel vm3, $0x0, v25;
	v19 =	vadd.f32 v40, v19  }
0xc7: {  	v43 =	vmul.f32 $1.000000010e-01, v23;
	v23 =	vsel vm12, $0x3DCCCCCD, v5;
	vm12 =	vlt.u32 v63, v14  }
0xc8: {  	v40 =	vmul.u32 $0x88F79500, v7;
	v28 =	vsel vm6, $0x0, v39;
	v21 =	vsel vm7, $0x0, v21  }
0xc9: {  	v38 =	vsel vm12, $0x3DCCCCCD, v5;
	vm4 =	vge.f32 v27, $1.000000000e+00;
	v42 =	vsub.f32 v19, v41  }
0xca: {  	v45 =	vsub.f32 $0.0e+00, v43;
	v19 =	vadd.f32 v43, v22;
	vm14 =	vlt.u32 v40, v15  }
0xcb: {  	v32 =	vsub.f32 v32, v38;
	v43 =	vsel vm14, $0x3DCCCCCD, v5;
	vm14 =	vlt.u32 v6, v12  }
0xcc: {  	v18 =	vadd.f32 v44, v42;
	v50 =	vadd.f32 v45, v48;
	v51 =	vmul.f32 $8.999999760e-01, v19  }
0xcd: {  	vm10 =	vge.f32 v19, $1.000000000e+00;
	v29 =	vadd.f32 v29, v32;
	v48 =	vsel vm4, $0x3F800000, v5  }
0xce: {  	v12 =	vsel vm14, $0x3DCCCCCD, v5;
	v17 =	vsel vm10, v49, v26;
	v26 =	vsel vm13, $0x3DCCCCCD, v5  }
0xcf: {  	vm13 =	vlt.u32 v37, v16;
	v18 =	vsub.f32 v18, v46;
	vm11 =	vge.f32 v50, $1.000000000e+00  }
0xd0: {  	v54 =	vsel vm10, $0x0, v51;
	v55 =	vmul.f32 $8.999999760e-01, v50;
	v62 =	vadd.f32 $1.000000000e+00, v17  }
0xd1: {  	v23 =	vsub.f32 v23, v26;
	v41 =	vsub.f32 v26, v36;
	v42 =	vsel vm13, $0x3DCCCCCD, v5  }
0xd2: {  	vm3 =	vge.f32 v29, $1.000000000e+00;
	v46 =	vsub.f32 v38, v42;
	v26 =	vsub.f32 v42, v43  }
0xd3: {  	v51 =	vsel vm3, $0x3F800000, v5;
	v53 =	vmul.f32 $1.000000010e-01, v18;
	v18 =	vsel vm11, v52, v47  }
0xd4: {  	v59 =	vsel vm11, $0x0, v55;
	v23 =	vadd.f32 v24, v23;
	v24 =	vadd.f32 v28, v41  }
0xd5: {  	v52 =	vmul.u32 $0xCC0E84A1, v9;
	v55 =	vmul.u32 $0xCC0E84A1, v8;
	v25 =	vadd.f32 v25, v46  }
0xd6: {  	v9 =	vmul.u32 $0xE84A100, v9;
	v21 =	vadd.f32 v21, v26;
	v50 =	vadd.f32 $1.000000000e+00, v18  }
0xd7: {  	v8 =	vmul.u32 $0xE84A100, v8;
	v19 =	vadd.f32 v53, v54;
	v56 =	vsub.f32 $0.0e+00, v53  }
0xd8: {  	vm6 =	vge.f32 v23, $1.000000000e+00;
	vm5 =	vge.f32 v24, $1.000000000e+00;
	vm15 =	vlt.u32 v52, v10  }
0xd9: {  	vm12 =	vlt.u32 v55, v11;
	v44 =	vsel vm6, $0x3F800000, v5;
	v45 =	vsel vm5, $0x3F800000, v5  }
0xda: {  	vm7 =	vge.f32 v25, $1.000000000e+00;
	vm2 =	vge.f32 v21, $1.000000000e+00;
	v10 =	vsel vm15, $0x3DCCCCCD, v5  }
0xdb: {  	v11 =	vsel vm12, $0x3DCCCCCD, v5;
	vm15 =	vlt.u32 v9, v14;
	v9 =	vmul.f32 $8.999999760e-01, v23  }
0xdc: {  	vm12 =	vlt.u32 v8, v16;
	v57 =	vmul.f32 $8.999999760e-01, v25;
	vm0 =	vge.f32 v19, $1.000000000e+00  }
0xdd: {  	v22 =	vadd.f32 v56, v59;
	v47 =	vsub.f32 v44, v45;
	v53 =	vsel vm7, $0x3F800000, v5  }
0xde: {  	v54 =	vsel vm2, $0x3F800000, v5;
	v56 =	vmul.u32 $0xCC0E84A1, v7;
	v14 =	vsel vm15, $0x3DCCCCCD, v5  }
0xdf: {  	v8 =	vsub.f32 v10, v11;
	v7 =	vmul.u32 $0xE84A100, v7;
	v10 =	vmul.f32 $8.999999760e-01, v24  }
0xe0: {  	v16 =	vsel vm12, $0x3DCCCCCD, v5;
	v59 =	vmul.f32 $8.999999760e-01, v21;
	vm13 =	vlt.u32 v56, v13  }
0xe1: {  	v9 =	vsel vm6, $0x0, v9;
	v49 =	vadd.f32 v48, v47;
	v13 =	vsel vm13, $0x3DCCCCCD, v5  }
0xe2: {  	v58 =	vsel vm7, $0x0, v57;
	v8 =	vadd.f32 v9, v8;
	v9 =	vsub.f32 v11, v13  }
0xe3: {  	vm13 =	vlt.u32 v7, v15;
	v7 =	vsel vm5, $0x0, v10;
	v10 =	vmul.f32 $8.999999760e-01, v27  }
0xe4: {  	vm14 =	vge.f32 v8, $1.000000000e+00;
	v8 =	vsub.f32 v13, v12;
	v7 =	vadd.f32 v7, v9  }
0xe5: {  	v26 =	vsub.f32 v49, v51;
	v12 =	vsub.f32 v12, v14;
	v10 =	vsel vm4, $0x0, v10  }
0xe6: {  	vm15 =	vge.f32 v7, $1.000000000e+00;
	v7 =	vadd.f32 v10, v8;
	v8 =	vmul.f32 $8.999999760e-01, v29  }
0xe7: {  	v11 =	vsel vm14, $0x3F800000, v5;
	v26 =	vadd.f32 v53, v26;
	v10 =	vsel vm15, $0x3F800000, v5  }
0xe8: {  	vm8 =	vge.f32 v7, $1.000000000e+00;
	v7 =	vsel vm3, $0x0, v8;
	v8 =	vsub.f32 v14, v16  }
0xe9: {  	vm1 =	vge.f32 v22, $1.000000000e+00;
	v10 =	vsub.f32 v11, v10;
	v7 =	vadd.f32 v7, v12  }
0xea: {  	v9 =	vsel vm13, $0x3DCCCCCD, v5;
	v11 =	vsel vm8, $0x3F800000, v5;
	v8 =	vadd.f32 v58, v8  }
0xeb: {  	vm9 =	vge.f32 v7, $1.000000000e+00;
	v7 =	vsub.f32 v16, v9;
	v9 =	vadd.f32 v11, v10  }
0xec: {  	v12 =	vsel vm2, $0x0, v59;
	v10 =	vsub.f32 v26, v54;
	v11 =	vsel vm9, $0x3F800000, v5  }
0xed: {  	vm10 =	vge.f32 v8, $1.000000000e+00;
	v7 =	vadd.f32 v12, v7;
	v8 =	vsub.f32 v9, v11  }
0xee: {  	v9 =	vmul.f32 $1.000000010e-01, v10;
	v10 =	vmul.f32 $8.999999760e-01, v19;
	v11 =	vsel vm10, $0x3F800000, v5  }
0xef: {  	v60 =	vmul.f32 $8.999999760e-01, v22;
	vm11 =	vge.f32 v7, $1.000000000e+00;
	v7 =	vadd.f32 v11, v8  }
0xf0: {  	v8 =	vsub.f32 $0.0e+00, v9;
	v10 =	vsel vm0, $0x0, v10;
	v11 =	vsel vm11, $0x3F800000, v5  }
0xf1: {  	v9 =	vadd.f32 v9, v10;
	v10 =	vsel vm1, $0x0, v60;
	v7 =	vsub.f32 v7, v11  }
0xf2: {  	v61 =	vsel vm1, v50, v18;
	v11 =	vsel vm0, v62, v17;
	v8 =	vadd.f32 v8, v10  }
0xf3: {  	vm12 =	vge.f32 v9, $1.000000000e+00;
	v9 =	vmul.f32 $8.999999760e-01, v9;
	v7 =	vmul.f32 $1.000000010e-01, v7  }
0xf4: {  	v10 =	vadd.f32 $1.000000000e+00, v11;
	vm13 =	vge.f32 v8, $1.000000000e+00;
	v8 =	vmul.f32 $8.999999760e-01, v8  }
0xf5: {  	v62 =	vadd.f32 $1.000000000e+00, v61;
	v9 =	vsel vm12, $0x0, v9;
	v63 =	vsub.f32 $0.0e+00, v7  }
0xf6: {  	v10 =	vsel vm12, v10, v11;
	v7 =	vadd.f32 v7, v9;
	v8 =	vsel vm13, $0x0, v8  }
0xf7: {  	s31 =	sshll.u32 s10, $0x6;
	v9 =	vsel vm13, v62, v61;
	v11 =	vadd.f32 $1.000000000e+00, v10;
	v8 =	vadd.f32 v63, v8  }
0xf8: {  	p0 =	sne.s32 s10, $0x1F;
	s12 =	sand.u32 $0x3FFFFE00, s31;
	vm14 =	vge.f32 v7, $1.000000000e+00;
	v7 =	vadd.f32 $1.000000000e+00, v9  }
.Ltmp0:
0xf9: {  	s11 =	sor.u32 s11, s12;
	v10 =	vsel vm14, v11, v10;
	vm15 =	vge.f32 v8, $1.000000000e+00;
	(pc) =	sbr.rel @p0 .LBB2_2-.Ltmp0, $4  }
0xfa: {  	[tilespmem:s11+$0x1000] =	vst v10;
	v7 =	vsel vm15, v7, v9  }
0xfb: {  	[tilespmem:s11+$0x1100] =	vst v10  }
0xfc: {  	[tilespmem:s11+$0x1080] =	vst v7  }
0xfd: {  	s9 =	sadd.s32 $0x10, s9;
	s10 =	sadd.s32 $0x1, s10;
	v9 =	vmov v52;
	[tilespmem:s11+$0x1180] =	vst v7;
	v8 =	vmov v55;
	v7 =	vmov v56  }
0xfe: {  	s8 =	sadd.s32 $0x1, s8  }
0xff: {  	p0 =	sne.s32 s8, s5  }
.Ltmp1:
0x100: {  	_ = 	snop;
	(pc) =	sbr.rel @p0 .LBB2_1-.Ltmp1, $4  }
0x101: {  	[hbm4b:s4+s2] =	stream.linear.scatter [tilespmem:s7], [sflag:$0x1], $0x800, $0x38;
	[tilespmem:$0x1800] =	vst v63  }
0x102: {  	_ =	swait.ge [sflag:s6], $0x800  }
0x103: {  	[sflag:s6] =	ssyncset.done $0x0  }
0x104: {  	[sflag:s6] =	ssyncadd.s32 $0xFFFFF800  }
0x105: {  	_ =	sfence.sel $0x180000  }
0x106: {  	[bflag:$0x0] =	sbarrier.arrive $0xFFFF  }
0x107: {  	p0 =	sne.s32 s0, $0x0;
	_ =	strace $0x90000047  }
0x108: {  	s0 =	sadd.s32 @!p0 $0x100000, s1;
	[bflag:$0x2] =	sbarrier.arrive $0xFFFF  }
0x109: {  	[sflag:s0] =	ssyncadd.tile.s32 @!p0 $0x1;
	_ =	shalt  }
.Lfunc_end2:
_tile_overlayer_lowered:
.L_overlay_start_2:
0x10a: {  	(tag) =	ssettag $0x2  }
0x10b: {  	s0 =	rddreg [dreg:$0x0];
	s2 =	stileid.u32  }
0x10c: {  	s1 =	rddreg [dreg:$0x1];
	p0 =	sne.s32 s2, $0x0  }
0x10d: {  	s3 =	rddreg [dreg:$0x2];
	[bflag:$0x3] =	sbarrier.arrive $0xFFFF;
	s2 =	simm.s32 @!p0 $0x1C01  }
0x10e: {  	[timem:s3], [sflag:s2] =	dma.local @!p0 [hbm:s0], s1  }
0x10f: {  	s0 =	simm.s32 @!p0 $0x1  }
0x110: {  	_ =	swait.ge @!p0 [sflag:s0], s1  }
0x111: {  	s1 =	ssub.s32 @!p0 $0x0, s1;
	[sflag:s0] =	ssyncset.done @!p0 $0x0  }
0x112: {  	[sflag:s0] =	ssyncadd.s32 @!p0 s1  }
0x113: {  	[bflag:$0x3] =	sbarrier.arrive $0xFFFF  }
0x114: {  	_ =	shalt  }

</sc_bundles>
